<compile_context>
chip_gen: v7x
topology: tpu7x:2x2x1
jax: 0.10.2.dev20260603
libtpu: 0.0.44.dev20260713+nightly
codegen_flags: <defaults>
</compile_context>

<pallas_src>
import functools

import jax
import jax.numpy as jnp
from jax import lax
from jax.experimental import pallas as pl
from jax.experimental.pallas import tpu as pltpu
from jax.experimental.pallas import tpu_sc as plsc

N = 10000
E = 160000
C = 256
CH = 128
NS = 16
K = 64
CPT = 160
EPT = K * CPT
EPAD = NS * EPT
NPAD = 10240
ZR = NPAD // NS
NB = 2000
GRID = N // NB


def _mm_body(x_ref, wvt_ref, wnt_ref, fv_ref, fn_ref):
    x = x_ref[...]
    fv = lax.dot_general(x, wvt_ref[...], (((0,), (0,)), ((), ())),
                         preferred_element_type=jnp.float32)
    fn = lax.dot_general(x, wnt_ref[...], (((0,), (0,)), ((), ())),
                         preferred_element_type=jnp.float32)
    fv_ref[...] = fv
    fn_ref[0] = fn[:, :CH]
    fn_ref[1] = fn[:, CH:]


def _tc_matmuls(x, wvt, wnt):
    return pl.pallas_call(
        _mm_body,
        out_shape=[
            jax.ShapeDtypeStruct((N, C), jnp.float32),
            jax.ShapeDtypeStruct((2, N, CH), jnp.float32),
        ],
    )(x, wvt, wnt)


def _sc_body(fn_hbm, g_hbm, r_hbm, za_hbm, on_hbm,
             sums_o, cnt_o, acc, g_v, r_v, rows, gsem, isem, ssem):
    c = lax.axis_index("c")
    s = lax.axis_index("s")

    pltpu.sync_copy(za_hbm, acc.at[pl.ds(s * ZR, ZR)])
    plsc.subcore_barrier()

    gbase = (c * NS + s) * EPT
    rbase = s * EPT

    def idx_load_async(j, b):
        pltpu.async_copy(g_hbm.at[pl.ds(gbase + j * K, K)], g_v.at[b], isem)
        pltpu.async_copy(r_hbm.at[pl.ds(rbase + j * K, K)], r_v.at[b], isem)

    def idx_wait(j, b):
        pltpu.make_async_copy(g_hbm.at[pl.ds(gbase + j * K, K)], g_v.at[b],
                              isem).wait()
        pltpu.make_async_copy(r_hbm.at[pl.ds(rbase + j * K, K)], r_v.at[b],
                              isem).wait()

    def gather(br, bi):
        pltpu.async_copy(fn_hbm.at[g_v.at[bi]], rows.at[br], gsem)

    def gather_wait(br, bi):
        pltpu.make_async_copy(fn_hbm.at[g_v.at[bi]], rows.at[br], gsem).wait()

    def scatter(br, bi):
        pltpu.async_copy(rows.at[br], acc.at[r_v.at[bi]], ssem, add=True)

    def scatter_wait(br, bi):
        pltpu.make_async_copy(rows.at[br], acc.at[r_v.at[bi]], ssem).wait()

    def step(j, wait_sc, fire_g, fire_i):
        if wait_sc:
            scatter_wait(lax.rem(j + 3, 4), lax.rem(j + 4, 5))
        if fire_g:
            idx_wait(j + 3, lax.rem(j + 3, 5))
            gather(lax.rem(j + 3, 4), lax.rem(j + 3, 5))
        gather_wait(lax.rem(j, 4), lax.rem(j, 5))
        scatter(lax.rem(j, 4), lax.rem(j, 5))
        if fire_i:
            idx_load_async(j + 4, lax.rem(j + 4, 5))

    for p in range(3):
        pltpu.sync_copy(g_hbm.at[pl.ds(gbase + p * K, K)], g_v.at[p])
        pltpu.sync_copy(r_hbm.at[pl.ds(rbase + p * K, K)], r_v.at[p])
        gather(p, p)
    idx_load_async(3, 3)

    step(0, False, True, True)

    @pl.loop(1, CPT - 4)
    def _(j):
        step(j, True, True, True)

    step(CPT - 4, True, True, False)
    step(CPT - 3, True, False, False)
    step(CPT - 2, True, False, False)
    step(CPT - 1, True, False, False)
    scatter_wait((CPT - 1) % 4, (CPT - 1) % 5)

    plsc.subcore_barrier()
    pltpu.sync_copy(acc.at[pl.ds(s * ZR, ZR)],
                    sums_o.at[c, pl.ds(s * ZR, ZR)])
    pltpu.sync_copy(za_hbm, acc.at[pl.ds(s * ZR, ZR)])
    pltpu.sync_copy(on_hbm, rows.at[0])
    plsc.subcore_barrier()

    CCPT = CPT // 2
    cbase = (c * NS + s) * (EPT // 2)

    def cidx_load_async(j, b):
        pltpu.async_copy(r_hbm.at[pl.ds(cbase + j * K, K)], r_v.at[b], isem)

    def cidx_wait(j, b):
        pltpu.make_async_copy(r_hbm.at[pl.ds(cbase + j * K, K)], r_v.at[b],
                              isem).wait()

    def cscatter(b):
        pltpu.async_copy(rows.at[0], acc.at[r_v.at[b]], ssem, add=True)

    def cscatter_wait(b):
        pltpu.make_async_copy(rows.at[0], acc.at[r_v.at[b]], ssem).wait()

    def cstep(j, first, last2, last1):
        if not last1:
            cidx_wait(j + 1, lax.rem(j + 1, 4))
        if not first:
            cscatter_wait(lax.rem(j + 2, 4))
        cscatter(lax.rem(j, 4))
        if not (last1 or last2):
            cidx_load_async(j + 2, lax.rem(j + 2, 4))

    pltpu.sync_copy(r_hbm.at[pl.ds(cbase, K)], r_v.at[0])
    cidx_load_async(1, 1)

    cstep(0, True, False, False)
    cstep(1, True, False, False)

    @pl.loop(2, CCPT - 2)
    def _(j):
        cstep(j, False, False, False)

    cstep(CCPT - 2, False, True, False)
    cstep(CCPT - 1, False, True, True)
    cscatter_wait((CCPT - 2) % 4)
    cscatter_wait((CCPT - 1) % 4)

    plsc.subcore_barrier()
    pltpu.sync_copy(acc.at[pl.ds(s * ZR, ZR)],
                    cnt_o.at[c, pl.ds(s * ZR, ZR)])


def _sc_segment(fn_cat, gidx, ridx, za, ones_h):
    mesh = plsc.VectorSubcoreMesh(core_axis_name="c", subcore_axis_name="s")
    run = pl.kernel(
        _sc_body,
        out_type=(
            jax.ShapeDtypeStruct((2, NPAD, CH), jnp.float32),
            jax.ShapeDtypeStruct((2, NPAD, CH), jnp.float32),
        ),
        mesh=mesh,
        scratch_types=[
            pltpu.VMEM_SHARED((NPAD, CH), jnp.float32),
            pltpu.VMEM((5, K), jnp.int32),
            pltpu.VMEM((5, K), jnp.int32),
            pltpu.VMEM((4, K, CH), jnp.float32),
            pltpu.SemaphoreType.DMA,
            pltpu.SemaphoreType.DMA,
            pltpu.SemaphoreType.DMA,
        ],
    )
    return run(fn_cat, gidx, ridx, za, ones_h)


def _c1_body(sums_ref, cnt_ref, fv_ref, o_ref, stats_ref):
    s = jnp.concatenate([sums_ref[0][:N], sums_ref[1][:N]], axis=1)
    cnt = cnt_ref[0][:N, 0:1] + cnt_ref[1][:N, 0:1]
    mean = s / jnp.maximum(cnt, 1.0)
    o = mean + fv_ref[...]
    o_ref[...] = o
    stats_ref[0:1, :] = jnp.sum(o, axis=0, keepdims=True)
    stats_ref[1:2, :] = jnp.sum(o * o, axis=0, keepdims=True)
    stats_ref[2:8, :] = jnp.zeros((6, C), jnp.float32)


def _tc_mean_stats(sums, counts, fv):
    return pl.pallas_call(
        _c1_body,
        out_shape=[
            jax.ShapeDtypeStruct((N, C), jnp.float32),
            jax.ShapeDtypeStruct((8, C), jnp.float32),
        ],
    )(sums, counts, fv)


def _c2_body(o_ref, stats_ref, g_ref, b_ref, a_ref, out_ref):
    o = o_ref[...]
    mu = stats_ref[0:1, :] / N
    var = stats_ref[1:2, :] / N - mu * mu
    inv = lax.rsqrt(var + 1e-5)
    y = (o - mu) * (inv * g_ref[...]) + b_ref[...]
    y = jnp.where(y > 0, y, a_ref[0, 0] * y)
    out_ref[...] = y.T


def _tc_norm(o, stats, gamma, beta, alpha):
    return pl.pallas_call(
        _c2_body,
        out_shape=jax.ShapeDtypeStruct((C, N), jnp.float32),
    )(o, stats, gamma.reshape(1, C), beta.reshape(1, C),
      alpha.reshape(1, 1))


def kernel(in_features, reduce_index, gather_index, W_v, W_n, gamma, beta, alpha):
    x = in_features.reshape(C, N)
    fv, fn = _tc_matmuls(x, W_v.T, W_n.T)
    fn_cat = fn.reshape(2 * N, CH)

    pad = EPAD - E
    g32 = gather_index.astype(jnp.int32)
    r32 = reduce_index.astype(jnp.int32)
    gp = jnp.concatenate([g32, jnp.zeros((pad,), jnp.int32)])
    rp = jnp.concatenate([r32, jnp.full((pad,), N, jnp.int32)])
    gidx = jnp.stack([gp, gp + N]).reshape(2 * EPAD)
    ridx = rp

    za = jnp.zeros((ZR, CH), jnp.float32)
    ones_h = jnp.ones((K, CH), jnp.float32)

    sums, counts = _sc_segment(fn_cat, gidx, ridx, za, ones_h)
    o, stats = _tc_mean_stats(sums, counts, fv)
    out = _tc_norm(o, stats, gamma, beta, alpha)
    return out[None]

# --- scband reference (transcript-rebuilt; emitter-appended) ---
"""Pipeline reference for scband-graph-conv-31516470018676 (READ-ONLY COPY).

The authoritative reference and input builder live on the scoring server;
editing this copy changes nothing except your own understanding.
"""

import jax, jax.numpy as jnp
import numpy as np

N = 10000
E = 160000
C_IN = 256
C_OUT = 256


def setup_inputs(seed: int = 0) -> dict:
    key = jax.random.key(seed)
    ks = jax.random.split(key, 8)
    in_features = jax.random.normal(ks[0], (1, C_IN, N), dtype=jnp.float32)
    reduce_index = jax.random.randint(ks[1], (E,), 0, N)
    gather_index = jax.random.randint(ks[2], (E,), 0, N)
    # learned parameters: conv1d with kernel_size=1 == per-node channel matmul
    W_v = jax.random.normal(ks[3], (C_OUT, C_IN), dtype=jnp.float32) / np.sqrt(C_IN)
    W_n = jax.random.normal(ks[4], (C_OUT, C_IN), dtype=jnp.float32) / np.sqrt(C_IN)
    gamma = jnp.ones((C_OUT,), dtype=jnp.float32)
    beta = jnp.zeros((C_OUT,), dtype=jnp.float32)
    alpha = jnp.asarray(0.3, dtype=jnp.float32)  # PReLU(init=0.3)
    return {
        "in_features": in_features,
        "reduce_index": reduce_index,
        "gather_index": gather_index,
        "W_v": W_v,
        "W_n": W_n,
        "gamma": gamma,
        "beta": beta,
        "alpha": alpha,
    }


def _forward(x, W_v, W_n, gamma, beta, alpha, reduce_index, gather_index):
    # conv1d(kernel_size=1, bias=False) over channel dim
    F_v = jnp.einsum("oc,bcn->bon", W_v, x)
    F_n = jnp.einsum("oc,bcn->bon", W_n, x)
    # gather neighbor features then segment-mean into destination nodes
    g = F_n[..., gather_index]            # [B, C, E]
    g = jnp.moveaxis(g, 2, 0)             # [E, B, C]
    sums = jax.ops.segment_sum(g, reduce_index, num_segments=N)       # [N, B, C]
    cnt = jax.ops.segment_sum(jnp.ones((E,), jnp.float32), reduce_index, num_segments=N)
    mean = sums / jnp.maximum(cnt, 1.0)[:, None, None]  # include_self=False; untouched rows stay 0
    mean = jnp.moveaxis(mean, 0, 2)       # [B, C, N]
    out = mean + F_v
    # BatchNorm1d (training mode: batch statistics over (B, N) per channel, biased var)
    mu = jnp.mean(out, axis=(0, 2), keepdims=True)
    var = jnp.var(out, axis=(0, 2), keepdims=True)
    out = (out - mu) / jnp.sqrt(var + 1e-5)
    out = out * gamma[None, :, None] + beta[None, :, None]
    # PReLU
    return jnp.where(out > 0, out, alpha * out)


def reference(in_features, reduce_index, gather_index, W_v, W_n, gamma, beta, alpha):
    return _forward(in_features, W_v, W_n, gamma, beta, alpha, reduce_index, gather_index)

if __name__ == "__main__":
    import jax
    _d = setup_inputs()
    print(jax.jit(kernel)(*tuple(_d.values())))

</pallas_src>

<mosaic_0001>
#map = affine_map<(d0, d1) -> (0, 0)>
#map1 = affine_map<(d0, d1) -> (0)>
#map2 = affine_map<(d0, d1) -> (0, 0, 0)>
module attributes {stable_mosaic.version = 14 : i64} {
  func.func @_sc_body(%arg0: i32, %arg1: i32, %arg2: memref<20000x128xf32, #tpu.memory_space<hbm>>, %arg3: memref<327680xi32, #tpu.memory_space<hbm>>, %arg4: memref<163840xi32, #tpu.memory_space<hbm>>, %arg5: memref<640x128xf32, #tpu.memory_space<hbm>>, %arg6: memref<64x128xf32, #tpu.memory_space<hbm>>, %arg7: memref<2x10240x128xf32, #tpu.memory_space<hbm>>, %arg8: memref<2x10240x128xf32, #tpu.memory_space<hbm>>, %arg9: memref<10240x128xf32, #tpu.memory_space<vmem_shared>>, %arg10: memref<5x64xi32, #tpu.memory_space<vmem>>, %arg11: memref<5x64xi32, #tpu.memory_space<vmem>>, %arg12: memref<4x64x128xf32, #tpu.memory_space<vmem>>, %arg13: memref<!tpu.dma_semaphore, #tpu.memory_space<semaphore_mem>>, %arg14: memref<!tpu.dma_semaphore, #tpu.memory_space<semaphore_mem>>, %arg15: memref<!tpu.dma_semaphore, #tpu.memory_space<semaphore_mem>>) attributes {dimension_semantics = [#tpu.dimension_semantics<core_parallel>, #tpu.dimension_semantics<subcore_parallel>], iteration_bounds = array<i64: 2, 16>, scalar_prefetch = 0 : i64, scratch_operands = 7 : i64, tpu.core_type = #tpu.core_type<sc_vector_subcore>, window_params = [{transform_indices = #map}, {transform_indices = #map1}, {transform_indices = #map1}, {transform_indices = #map}, {transform_indices = #map}, {transform_indices = #map2}, {transform_indices = #map2}]} {
    %mul3A = arith.constant 640 : i32
    %mul3A_0 = arith.muli %arg1, %mul3A : i32
    "tpu.region"() ({
      %run_scoped3A_629 = tpu.sem_alloc : memref<!tpu.dma_semaphore, #tpu.memory_space<semaphore_mem>>
      %dma_start3A_630 = arith.constant 0 : i32
      %dma_start3A_631 = tpu.memref_slice %arg9[%mul3A_0, %dma_start3A_630] : memref<10240x128xf32, #tpu.memory_space<vmem_shared>> -> memref<640x128xf32, #tpu.memory_space<vmem_shared>>
      tpu.enqueue_dma source(%arg5 : memref<640x128xf32, #tpu.memory_space<hbm>>) target(%dma_start3A_631 : memref<640x128xf32, #tpu.memory_space<vmem_shared>>) target_semaphore(%run_scoped3A_629 : memref<!tpu.dma_semaphore, #tpu.memory_space<semaphore_mem>>)
      %dma_wait3A_632 = arith.constant 0 : i32
      %dma_wait3A_633 = tpu.memref_slice %arg9[%mul3A_0, %dma_wait3A_632] : memref<10240x128xf32, #tpu.memory_space<vmem_shared>> -> memref<640x128xf32, #tpu.memory_space<vmem_shared>>
      tpu.wait_dma2 semaphore(%run_scoped3A_629 : memref<!tpu.dma_semaphore, #tpu.memory_space<semaphore_mem>>) src(%arg5 : memref<640x128xf32, #tpu.memory_space<hbm>>) dst(%dma_wait3A_633 : memref<640x128xf32, #tpu.memory_space<vmem_shared>>)
      tpu.yield
    }) : () -> ()
    %barrier3A = arith.constant 0 : index
    tpu.barrier barrier_id(%barrier3A)
    %mul3A_1 = arith.constant 16 : i32
    %mul3A_2 = arith.muli %arg0, %mul3A_1 : i32
    %add3A = arith.addi %mul3A_2, %arg1 : i32
    %mul3A_3 = arith.constant 10240 : i32
    %mul3A_4 = arith.muli %add3A, %mul3A_3 : i32
    %mul3A_5 = arith.constant 10240 : i32
    %mul3A_6 = arith.muli %arg1, %mul3A_5 : i32
    %add3A_7 = arith.constant 0 : i32
    %add3A_8 = arith.addi %mul3A_4, %add3A_7 : i32
    %run_scoped3A = arith.constant 0 : i32
    "tpu.region"() ({
      %run_scoped3A_629 = tpu.sem_alloc : memref<!tpu.dma_semaphore, #tpu.memory_space<semaphore_mem>>
      %dma_start3A_630 = arith.constant 0 : i32
      %dma_start3A_631 = tpu.memref_slice %arg10[%run_scoped3A, %dma_start3A_630] : memref<5x64xi32, #tpu.memory_space<vmem>> -> memref<1x64xi32, #tpu.memory_space<vmem>>
      %dma_start3A_632 = tpu.memref_squeeze %dma_start3A_631 : memref<1x64xi32, #tpu.memory_space<vmem>> -> memref<64xi32, #tpu.memory_space<vmem>>
      %dma_start3A_633 = tpu.memref_slice %arg3[%add3A_8] : memref<327680xi32, #tpu.memory_space<hbm>> -> memref<64xi32, #tpu.memory_space<hbm>>
      %dma_start3A_634 = arith.constant 0 : i32
      %dma_start3A_635 = tpu.memref_slice %arg10[%run_scoped3A, %dma_start3A_634] : memref<5x64xi32, #tpu.memory_space<vmem>> -> memref<1x64xi32, #tpu.memory_space<vmem>>
      %dma_start3A_636 = tpu.memref_squeeze %dma_start3A_635 : memref<1x64xi32, #tpu.memory_space<vmem>> -> memref<64xi32, #tpu.memory_space<vmem>>
      %dma_start3A_637 = tpu.memref_slice %arg3[%add3A_8] : memref<327680xi32, #tpu.memory_space<hbm>> -> memref<64xi32, #tpu.memory_space<hbm>>
      tpu.enqueue_dma source(%dma_start3A_637 : memref<64xi32, #tpu.memory_space<hbm>>) target(%dma_start3A_636 : memref<64xi32, #tpu.memory_space<vmem>>) target_semaphore(%run_scoped3A_629 : memref<!tpu.dma_semaphore, #tpu.memory_space<semaphore_mem>>)
      %dma_wait3A_638 = arith.constant 0 : i32
      %dma_wait3A_639 = tpu.memref_slice %arg10[%run_scoped3A, %dma_wait3A_638] : memref<5x64xi32, #tpu.memory_space<vmem>> -> memref<1x64xi32, #tpu.memory_space<vmem>>
      %dma_wait3A_640 = tpu.memref_squeeze %dma_wait3A_639 : memref<1x64xi32, #tpu.memory_space<vmem>> -> memref<64xi32, #tpu.memory_space<vmem>>
      %dma_wait3A_641 = tpu.memref_slice %arg3[%add3A_8] : memref<327680xi32, #tpu.memory_space<hbm>> -> memref<64xi32, #tpu.memory_space<hbm>>
      %dma_wait3A_642 = arith.constant 0 : i32
      %dma_wait3A_643 = tpu.memref_slice %arg10[%run_scoped3A, %dma_wait3A_642] : memref<5x64xi32, #tpu.memory_space<vmem>> -> memref<1x64xi32, #tpu.memory_space<vmem>>
      %dma_wait3A_644 = tpu.memref_squeeze %dma_wait3A_643 : memref<1x64xi32, #tpu.memory_space<vmem>> -> memref<64xi32, #tpu.memory_space<vmem>>
      %dma_wait3A_645 = tpu.memref_slice %arg3[%add3A_8] : memref<327680xi32, #tpu.memory_space<hbm>> -> memref<64xi32, #tpu.memory_space<hbm>>
      tpu.wait_dma2 semaphore(%run_scoped3A_629 : memref<!tpu.dma_semaphore, #tpu.memory_space<semaphore_mem>>) src(%dma_wait3A_645 : memref<64xi32, #tpu.memory_space<hbm>>) dst(%dma_wait3A_644 : memref<64xi32, #tpu.memory_space<vmem>>)
      tpu.yield
    }) : () -> ()
    %add3A_9 = arith.constant 0 : i32
    %add3A_10 = arith.addi %mul3A_6, %add3A_9 : i32
    %run_scoped3A_11 = arith.constant 0 : i32
    "tpu.region"() ({
      %run_scoped3A_629 = tpu.sem_alloc : memref<!tpu.dma_semaphore, #tpu.memory_space<semaphore_mem>>
      %dma_start3A_630 = arith.constant 0 : i32
      %dma_start3A_631 = tpu.memref_slice %arg11[%run_scoped3A_11, %dma_start3A_630] : memref<5x64xi32, #tpu.memory_space<vmem>> -> memref<1x64xi32, #tpu.memory_space<vmem>>
      %dma_start3A_632 = tpu.memref_squeeze %dma_start3A_631 : memref<1x64xi32, #tpu.memory_space<vmem>> -> memref<64xi32, #tpu.memory_space<vmem>>
      %dma_start3A_633 = tpu.memref_slice %arg4[%add3A_10] : memref<163840xi32, #tpu.memory_space<hbm>> -> memref<64xi32, #tpu.memory_space<hbm>>
      %dma_start3A_634 = arith.constant 0 : i32
      %dma_start3A_635 = tpu.memref_slice %arg11[%run_scoped3A_11, %dma_start3A_634] : memref<5x64xi32, #tpu.memory_space<vmem>> -> memref<1x64xi32, #tpu.memory_space<vmem>>
      %dma_start3A_636 = tpu.memref_squeeze %dma_start3A_635 : memref<1x64xi32, #tpu.memory_space<vmem>> -> memref<64xi32, #tpu.memory_space<vmem>>
      %dma_start3A_637 = tpu.memref_slice %arg4[%add3A_10] : memref<163840xi32, #tpu.memory_space<hbm>> -> memref<64xi32, #tpu.memory_space<hbm>>
      tpu.enqueue_dma source(%dma_start3A_637 : memref<64xi32, #tpu.memory_space<hbm>>) target(%dma_start3A_636 : memref<64xi32, #tpu.memory_space<vmem>>) target_semaphore(%run_scoped3A_629 : memref<!tpu.dma_semaphore, #tpu.memory_space<semaphore_mem>>)
      %dma_wait3A_638 = arith.constant 0 : i32
      %dma_wait3A_639 = tpu.memref_slice %arg11[%run_scoped3A_11, %dma_wait3A_638] : memref<5x64xi32, #tpu.memory_space<vmem>> -> memref<1x64xi32, #tpu.memory_space<vmem>>
      %dma_wait3A_640 = tpu.memref_squeeze %dma_wait3A_639 : memref<1x64xi32, #tpu.memory_space<vmem>> -> memref<64xi32, #tpu.memory_space<vmem>>
      %dma_wait3A_641 = tpu.memref_slice %arg4[%add3A_10] : memref<163840xi32, #tpu.memory_space<hbm>> -> memref<64xi32, #tpu.memory_space<hbm>>
      %dma_wait3A_642 = arith.constant 0 : i32
      %dma_wait3A_643 = tpu.memref_slice %arg11[%run_scoped3A_11, %dma_wait3A_642] : memref<5x64xi32, #tpu.memory_space<vmem>> -> memref<1x64xi32, #tpu.memory_space<vmem>>
      %dma_wait3A_644 = tpu.memref_squeeze %dma_wait3A_643 : memref<1x64xi32, #tpu.memory_space<vmem>> -> memref<64xi32, #tpu.memory_space<vmem>>
      %dma_wait3A_645 = tpu.memref_slice %arg4[%add3A_10] : memref<163840xi32, #tpu.memory_space<hbm>> -> memref<64xi32, #tpu.memory_space<hbm>>
      tpu.wait_dma2 semaphore(%run_scoped3A_629 : memref<!tpu.dma_semaphore, #tpu.memory_space<semaphore_mem>>) src(%dma_wait3A_645 : memref<64xi32, #tpu.memory_space<hbm>>) dst(%dma_wait3A_644 : memref<64xi32, #tpu.memory_space<vmem>>)
      tpu.yield
    }) : () -> ()
    %dma_start3A = arith.constant 0 : i32
    %dma_start3A_12 = arith.constant 0 : i32
    %dma_start3A_13 = arith.constant 0 : i32
    %dma_start3A_14 = arith.constant 0 : i32
    %dma_start3A_15 = tpu.memref_slice %arg12[%dma_start3A_12, %dma_start3A_13, %dma_start3A_14] : memref<4x64x128xf32, #tpu.memory_space<vmem>> -> memref<1x64x128xf32, #tpu.memory_space<vmem>>
    %dma_start3A_16 = tpu.memref_squeeze %dma_start3A_15 : memref<1x64x128xf32, #tpu.memory_space<vmem>> -> memref<64x128xf32, #tpu.memory_space<vmem>>
    %dma_start3A_17 = arith.constant 0 : i32
    %dma_start3A_18 = tpu.memref_slice %arg10[%dma_start3A, %dma_start3A_17] : memref<5x64xi32, #tpu.memory_space<vmem>> -> memref<1x64xi32, #tpu.memory_space<vmem>>
    %dma_start3A_19 = tpu.memref_squeeze %dma_start3A_18 : memref<1x64xi32, #tpu.memory_space<vmem>> -> memref<64xi32, #tpu.memory_space<vmem>>
    %dma_start3A_20 = arith.constant 0 : i32
    %dma_start3A_21 = arith.constant 0 : i32
    %dma_start3A_22 = tpu.memref_slice %arg2[%dma_start3A_20, %dma_start3A_21] : memref<20000x128xf32, #tpu.memory_space<hbm>> -> memref<20000x128xf32, #tpu.memory_space<hbm>>
    tpu.enqueue_indirect_dma source(%dma_start3A_22 : memref<20000x128xf32, #tpu.memory_space<hbm>>) target(%dma_start3A_16 : memref<64x128xf32, #tpu.memory_space<vmem>>) offsets(%dma_start3A_19 : memref<64xi32, #tpu.memory_space<vmem>>) semaphore(%arg13 : memref<!tpu.dma_semaphore, #tpu.memory_space<semaphore_mem>>)
    %add3A_23 = arith.constant 64 : i32
    %add3A_24 = arith.addi %mul3A_4, %add3A_23 : i32
    %run_scoped3A_25 = arith.constant 1 : i32
    "tpu.region"() ({
      %run_scoped3A_629 = tpu.sem_alloc : memref<!tpu.dma_semaphore, #tpu.memory_space<semaphore_mem>>
      %dma_start3A_630 = arith.constant 0 : i32
      %dma_start3A_631 = tpu.memref_slice %arg10[%run_scoped3A_25, %dma_start3A_630] : memref<5x64xi32, #tpu.memory_space<vmem>> -> memref<1x64xi32, #tpu.memory_space<vmem>>
      %dma_start3A_632 = tpu.memref_squeeze %dma_start3A_631 : memref<1x64xi32, #tpu.memory_space<vmem>> -> memref<64xi32, #tpu.memory_space<vmem>>
      %dma_start3A_633 = tpu.memref_slice %arg3[%add3A_24] : memref<327680xi32, #tpu.memory_space<hbm>> -> memref<64xi32, #tpu.memory_space<hbm>>
      %dma_start3A_634 = arith.constant 0 : i32
      %dma_start3A_635 = tpu.memref_slice %arg10[%run_scoped3A_25, %dma_start3A_634] : memref<5x64xi32, #tpu.memory_space<vmem>> -> memref<1x64xi32, #tpu.memory_space<vmem>>
      %dma_start3A_636 = tpu.memref_squeeze %dma_start3A_635 : memref<1x64xi32, #tpu.memory_space<vmem>> -> memref<64xi32, #tpu.memory_space<vmem>>
      %dma_start3A_637 = tpu.memref_slice %arg3[%add3A_24] : memref<327680xi32, #tpu.memory_space<hbm>> -> memref<64xi32, #tpu.memory_space<hbm>>
      tpu.enqueue_dma source(%dma_start3A_637 : memref<64xi32, #tpu.memory_space<hbm>>) target(%dma_start3A_636 : memref<64xi32, #tpu.memory_space<vmem>>) target_semaphore(%run_scoped3A_629 : memref<!tpu.dma_semaphore, #tpu.memory_space<semaphore_mem>>)
      %dma_wait3A_638 = arith.constant 0 : i32
      %dma_wait3A_639 = tpu.memref_slice %arg10[%run_scoped3A_25, %dma_wait3A_638] : memref<5x64xi32, #tpu.memory_space<vmem>> -> memref<1x64xi32, #tpu.memory_space<vmem>>
      %dma_wait3A_640 = tpu.memref_squeeze %dma_wait3A_639 : memref<1x64xi32, #tpu.memory_space<vmem>> -> memref<64xi32, #tpu.memory_space<vmem>>
      %dma_wait3A_641 = tpu.memref_slice %arg3[%add3A_24] : memref<327680xi32, #tpu.memory_space<hbm>> -> memref<64xi32, #tpu.memory_space<hbm>>
      %dma_wait3A_642 = arith.constant 0 : i32
      %dma_wait3A_643 = tpu.memref_slice %arg10[%run_scoped3A_25, %dma_wait3A_642] : memref<5x64xi32, #tpu.memory_space<vmem>> -> memref<1x64xi32, #tpu.memory_space<vmem>>
      %dma_wait3A_644 = tpu.memref_squeeze %dma_wait3A_643 : memref<1x64xi32, #tpu.memory_space<vmem>> -> memref<64xi32, #tpu.memory_space<vmem>>
      %dma_wait3A_645 = tpu.memref_slice %arg3[%add3A_24] : memref<327680xi32, #tpu.memory_space<hbm>> -> memref<64xi32, #tpu.memory_space<hbm>>
      tpu.wait_dma2 semaphore(%run_scoped3A_629 : memref<!tpu.dma_semaphore, #tpu.memory_space<semaphore_mem>>) src(%dma_wait3A_645 : memref<64xi32, #tpu.memory_space<hbm>>) dst(%dma_wait3A_644 : memref<64xi32, #tpu.memory_space<vmem>>)
      tpu.yield
    }) : () -> ()
    %add3A_26 = arith.constant 64 : i32
    %add3A_27 = arith.addi %mul3A_6, %add3A_26 : i32
    %run_scoped3A_28 = arith.constant 1 : i32
    "tpu.region"() ({
      %run_scoped3A_629 = tpu.sem_alloc : memref<!tpu.dma_semaphore, #tpu.memory_space<semaphore_mem>>
      %dma_start3A_630 = arith.constant 0 : i32
      %dma_start3A_631 = tpu.memref_slice %arg11[%run_scoped3A_28, %dma_start3A_630] : memref<5x64xi32, #tpu.memory_space<vmem>> -> memref<1x64xi32, #tpu.memory_space<vmem>>
      %dma_start3A_632 = tpu.memref_squeeze %dma_start3A_631 : memref<1x64xi32, #tpu.memory_space<vmem>> -> memref<64xi32, #tpu.memory_space<vmem>>
      %dma_start3A_633 = tpu.memref_slice %arg4[%add3A_27] : memref<163840xi32, #tpu.memory_space<hbm>> -> memref<64xi32, #tpu.memory_space<hbm>>
      %dma_start3A_634 = arith.constant 0 : i32
      %dma_start3A_635 = tpu.memref_slice %arg11[%run_scoped3A_28, %dma_start3A_634] : memref<5x64xi32, #tpu.memory_space<vmem>> -> memref<1x64xi32, #tpu.memory_space<vmem>>
      %dma_start3A_636 = tpu.memref_squeeze %dma_start3A_635 : memref<1x64xi32, #tpu.memory_space<vmem>> -> memref<64xi32, #tpu.memory_space<vmem>>
      %dma_start3A_637 = tpu.memref_slice %arg4[%add3A_27] : memref<163840xi32, #tpu.memory_space<hbm>> -> memref<64xi32, #tpu.memory_space<hbm>>
      tpu.enqueue_dma source(%dma_start3A_637 : memref<64xi32, #tpu.memory_space<hbm>>) target(%dma_start3A_636 : memref<64xi32, #tpu.memory_space<vmem>>) target_semaphore(%run_scoped3A_629 : memref<!tpu.dma_semaphore, #tpu.memory_space<semaphore_mem>>)
      %dma_wait3A_638 = arith.constant 0 : i32
      %dma_wait3A_639 = tpu.memref_slice %arg11[%run_scoped3A_28, %dma_wait3A_638] : memref<5x64xi32, #tpu.memory_space<vmem>> -> memref<1x64xi32, #tpu.memory_space<vmem>>
      %dma_wait3A_640 = tpu.memref_squeeze %dma_wait3A_639 : memref<1x64xi32, #tpu.memory_space<vmem>> -> memref<64xi32, #tpu.memory_space<vmem>>
      %dma_wait3A_641 = tpu.memref_slice %arg4[%add3A_27] : memref<163840xi32, #tpu.memory_space<hbm>> -> memref<64xi32, #tpu.memory_space<hbm>>
      %dma_wait3A_642 = arith.constant 0 : i32
      %dma_wait3A_643 = tpu.memref_slice %arg11[%run_scoped3A_28, %dma_wait3A_642] : memref<5x64xi32, #tpu.memory_space<vmem>> -> memref<1x64xi32, #tpu.memory_space<vmem>>
      %dma_wait3A_644 = tpu.memref_squeeze %dma_wait3A_643 : memref<1x64xi32, #tpu.memory_space<vmem>> -> memref<64xi32, #tpu.memory_space<vmem>>
      %dma_wait3A_645 = tpu.memref_slice %arg4[%add3A_27] : memref<163840xi32, #tpu.memory_space<hbm>> -> memref<64xi32, #tpu.memory_space<hbm>>
      tpu.wait_dma2 semaphore(%run_scoped3A_629 : memref<!tpu.dma_semaphore, #tpu.memory_space<semaphore_mem>>) src(%dma_wait3A_645 : memref<64xi32, #tpu.memory_space<hbm>>) dst(%dma_wait3A_644 : memref<64xi32, #tpu.memory_space<vmem>>)
      tpu.yield
    }) : () -> ()
    %dma_start3A_29 = arith.constant 1 : i32
    %dma_start3A_30 = arith.constant 1 : i32
    %dma_start3A_31 = arith.constant 0 : i32
    %dma_start3A_32 = arith.constant 0 : i32
    %dma_start3A_33 = tpu.memref_slice %arg12[%dma_start3A_30, %dma_start3A_31, %dma_start3A_32] : memref<4x64x128xf32, #tpu.memory_space<vmem>> -> memref<1x64x128xf32, #tpu.memory_space<vmem>>
    %dma_start3A_34 = tpu.memref_squeeze %dma_start3A_33 : memref<1x64x128xf32, #tpu.memory_space<vmem>> -> memref<64x128xf32, #tpu.memory_space<vmem>>
    %dma_start3A_35 = arith.constant 0 : i32
    %dma_start3A_36 = tpu.memref_slice %arg10[%dma_start3A_29, %dma_start3A_35] : memref<5x64xi32, #tpu.memory_space<vmem>> -> memref<1x64xi32, #tpu.memory_space<vmem>>
    %dma_start3A_37 = tpu.memref_squeeze %dma_start3A_36 : memref<1x64xi32, #tpu.memory_space<vmem>> -> memref<64xi32, #tpu.memory_space<vmem>>
    %dma_start3A_38 = arith.constant 0 : i32
    %dma_start3A_39 = arith.constant 0 : i32
    %dma_start3A_40 = tpu.memref_slice %arg2[%dma_start3A_38, %dma_start3A_39] : memref<20000x128xf32, #tpu.memory_space<hbm>> -> memref<20000x128xf32, #tpu.memory_space<hbm>>
    tpu.enqueue_indirect_dma source(%dma_start3A_40 : memref<20000x128xf32, #tpu.memory_space<hbm>>) target(%dma_start3A_34 : memref<64x128xf32, #tpu.memory_space<vmem>>) offsets(%dma_start3A_37 : memref<64xi32, #tpu.memory_space<vmem>>) semaphore(%arg13 : memref<!tpu.dma_semaphore, #tpu.memory_space<semaphore_mem>>)
    %add3A_41 = arith.constant 128 : i32
    %add3A_42 = arith.addi %mul3A_4, %add3A_41 : i32
    %run_scoped3A_43 = arith.constant 2 : i32
    "tpu.region"() ({
      %run_scoped3A_629 = tpu.sem_alloc : memref<!tpu.dma_semaphore, #tpu.memory_space<semaphore_mem>>
      %dma_start3A_630 = arith.constant 0 : i32
      %dma_start3A_631 = tpu.memref_slice %arg10[%run_scoped3A_43, %dma_start3A_630] : memref<5x64xi32, #tpu.memory_space<vmem>> -> memref<1x64xi32, #tpu.memory_space<vmem>>
      %dma_start3A_632 = tpu.memref_squeeze %dma_start3A_631 : memref<1x64xi32, #tpu.memory_space<vmem>> -> memref<64xi32, #tpu.memory_space<vmem>>
      %dma_start3A_633 = tpu.memref_slice %arg3[%add3A_42] : memref<327680xi32, #tpu.memory_space<hbm>> -> memref<64xi32, #tpu.memory_space<hbm>>
      %dma_start3A_634 = arith.constant 0 : i32
      %dma_start3A_635 = tpu.memref_slice %arg10[%run_scoped3A_43, %dma_start3A_634] : memref<5x64xi32, #tpu.memory_space<vmem>> -> memref<1x64xi32, #tpu.memory_space<vmem>>
      %dma_start3A_636 = tpu.memref_squeeze %dma_start3A_635 : memref<1x64xi32, #tpu.memory_space<vmem>> -> memref<64xi32, #tpu.memory_space<vmem>>
      %dma_start3A_637 = tpu.memref_slice %arg3[%add3A_42] : memref<327680xi32, #tpu.memory_space<hbm>> -> memref<64xi32, #tpu.memory_space<hbm>>
      tpu.enqueue_dma source(%dma_start3A_637 : memref<64xi32, #tpu.memory_space<hbm>>) target(%dma_start3A_636 : memref<64xi32, #tpu.memory_space<vmem>>) target_semaphore(%run_scoped3A_629 : memref<!tpu.dma_semaphore, #tpu.memory_space<semaphore_mem>>)
      %dma_wait3A_638 = arith.constant 0 : i32
      %dma_wait3A_639 = tpu.memref_slice %arg10[%run_scoped3A_43, %dma_wait3A_638] : memref<5x64xi32, #tpu.memory_space<vmem>> -> memref<1x64xi32, #tpu.memory_space<vmem>>
      %dma_wait3A_640 = tpu.memref_squeeze %dma_wait3A_639 : memref<1x64xi32, #tpu.memory_space<vmem>> -> memref<64xi32, #tpu.memory_space<vmem>>
      %dma_wait3A_641 = tpu.memref_slice %arg3[%add3A_42] : memref<327680xi32, #tpu.memory_space<hbm>> -> memref<64xi32, #tpu.memory_space<hbm>>
      %dma_wait3A_642 = arith.constant 0 : i32
      %dma_wait3A_643 = tpu.memref_slice %arg10[%run_scoped3A_43, %dma_wait3A_642] : memref<5x64xi32, #tpu.memory_space<vmem>> -> memref<1x64xi32, #tpu.memory_space<vmem>>
      %dma_wait3A_644 = tpu.memref_squeeze %dma_wait3A_643 : memref<1x64xi32, #tpu.memory_space<vmem>> -> memref<64xi32, #tpu.memory_space<vmem>>
      %dma_wait3A_645 = tpu.memref_slice %arg3[%add3A_42] : memref<327680xi32, #tpu.memory_space<hbm>> -> memref<64xi32, #tpu.memory_space<hbm>>
      tpu.wait_dma2 semaphore(%run_scoped3A_629 : memref<!tpu.dma_semaphore, #tpu.memory_space<semaphore_mem>>) src(%dma_wait3A_645 : memref<64xi32, #tpu.memory_space<hbm>>) dst(%dma_wait3A_644 : memref<64xi32, #tpu.memory_space<vmem>>)
      tpu.yield
    }) : () -> ()
    %add3A_44 = arith.constant 128 : i32
    %add3A_45 = arith.addi %mul3A_6, %add3A_44 : i32
    %run_scoped3A_46 = arith.constant 2 : i32
    "tpu.region"() ({
      %run_scoped3A_629 = tpu.sem_alloc : memref<!tpu.dma_semaphore, #tpu.memory_space<semaphore_mem>>
      %dma_start3A_630 = arith.constant 0 : i32
      %dma_start3A_631 = tpu.memref_slice %arg11[%run_scoped3A_46, %dma_start3A_630] : memref<5x64xi32, #tpu.memory_space<vmem>> -> memref<1x64xi32, #tpu.memory_space<vmem>>
      %dma_start3A_632 = tpu.memref_squeeze %dma_start3A_631 : memref<1x64xi32, #tpu.memory_space<vmem>> -> memref<64xi32, #tpu.memory_space<vmem>>
      %dma_start3A_633 = tpu.memref_slice %arg4[%add3A_45] : memref<163840xi32, #tpu.memory_space<hbm>> -> memref<64xi32, #tpu.memory_space<hbm>>
      %dma_start3A_634 = arith.constant 0 : i32
      %dma_start3A_635 = tpu.memref_slice %arg11[%run_scoped3A_46, %dma_start3A_634] : memref<5x64xi32, #tpu.memory_space<vmem>> -> memref<1x64xi32, #tpu.memory_space<vmem>>
      %dma_start3A_636 = tpu.memref_squeeze %dma_start3A_635 : memref<1x64xi32, #tpu.memory_space<vmem>> -> memref<64xi32, #tpu.memory_space<vmem>>
      %dma_start3A_637 = tpu.memref_slice %arg4[%add3A_45] : memref<163840xi32, #tpu.memory_space<hbm>> -> memref<64xi32, #tpu.memory_space<hbm>>
      tpu.enqueue_dma source(%dma_start3A_637 : memref<64xi32, #tpu.memory_space<hbm>>) target(%dma_start3A_636 : memref<64xi32, #tpu.memory_space<vmem>>) target_semaphore(%run_scoped3A_629 : memref<!tpu.dma_semaphore, #tpu.memory_space<semaphore_mem>>)
      %dma_wait3A_638 = arith.constant 0 : i32
      %dma_wait3A_639 = tpu.memref_slice %arg11[%run_scoped3A_46, %dma_wait3A_638] : memref<5x64xi32, #tpu.memory_space<vmem>> -> memref<1x64xi32, #tpu.memory_space<vmem>>
      %dma_wait3A_640 = tpu.memref_squeeze %dma_wait3A_639 : memref<1x64xi32, #tpu.memory_space<vmem>> -> memref<64xi32, #tpu.memory_space<vmem>>
      %dma_wait3A_641 = tpu.memref_slice %arg4[%add3A_45] : memref<163840xi32, #tpu.memory_space<hbm>> -> memref<64xi32, #tpu.memory_space<hbm>>
      %dma_wait3A_642 = arith.constant 0 : i32
      %dma_wait3A_643 = tpu.memref_slice %arg11[%run_scoped3A_46, %dma_wait3A_642] : memref<5x64xi32, #tpu.memory_space<vmem>> -> memref<1x64xi32, #tpu.memory_space<vmem>>
      %dma_wait3A_644 = tpu.memref_squeeze %dma_wait3A_643 : memref<1x64xi32, #tpu.memory_space<vmem>> -> memref<64xi32, #tpu.memory_space<vmem>>
      %dma_wait3A_645 = tpu.memref_slice %arg4[%add3A_45] : memref<163840xi32, #tpu.memory_space<hbm>> -> memref<64xi32, #tpu.memory_space<hbm>>
      tpu.wait_dma2 semaphore(%run_scoped3A_629 : memref<!tpu.dma_semaphore, #tpu.memory_space<semaphore_mem>>) src(%dma_wait3A_645 : memref<64xi32, #tpu.memory_space<hbm>>) dst(%dma_wait3A_644 : memref<64xi32, #tpu.memory_space<vmem>>)
      tpu.yield
    }) : () -> ()
    %dma_start3A_47 = arith.constant 2 : i32
    %dma_start3A_48 = arith.constant 2 : i32
    %dma_start3A_49 = arith.constant 0 : i32
    %dma_start3A_50 = arith.constant 0 : i32
    %dma_start3A_51 = tpu.memref_slice %arg12[%dma_start3A_48, %dma_start3A_49, %dma_start3A_50] : memref<4x64x128xf32, #tpu.memory_space<vmem>> -> memref<1x64x128xf32, #tpu.memory_space<vmem>>
    %dma_start3A_52 = tpu.memref_squeeze %dma_start3A_51 : memref<1x64x128xf32, #tpu.memory_space<vmem>> -> memref<64x128xf32, #tpu.memory_space<vmem>>
    %dma_start3A_53 = arith.constant 0 : i32
    %dma_start3A_54 = tpu.memref_slice %arg10[%dma_start3A_47, %dma_start3A_53] : memref<5x64xi32, #tpu.memory_space<vmem>> -> memref<1x64xi32, #tpu.memory_space<vmem>>
    %dma_start3A_55 = tpu.memref_squeeze %dma_start3A_54 : memref<1x64xi32, #tpu.memory_space<vmem>> -> memref<64xi32, #tpu.memory_space<vmem>>
    %dma_start3A_56 = arith.constant 0 : i32
    %dma_start3A_57 = arith.constant 0 : i32
    %dma_start3A_58 = tpu.memref_slice %arg2[%dma_start3A_56, %dma_start3A_57] : memref<20000x128xf32, #tpu.memory_space<hbm>> -> memref<20000x128xf32, #tpu.memory_space<hbm>>
    tpu.enqueue_indirect_dma source(%dma_start3A_58 : memref<20000x128xf32, #tpu.memory_space<hbm>>) target(%dma_start3A_52 : memref<64x128xf32, #tpu.memory_space<vmem>>) offsets(%dma_start3A_55 : memref<64xi32, #tpu.memory_space<vmem>>) semaphore(%arg13 : memref<!tpu.dma_semaphore, #tpu.memory_space<semaphore_mem>>)
    %add3A_59 = arith.constant 192 : i32
    %add3A_60 = arith.addi %mul3A_4, %add3A_59 : i32
    %dma_start3A_61 = arith.constant 3 : i32
    %dma_start3A_62 = arith.constant 0 : i32
    %dma_start3A_63 = tpu.memref_slice %arg10[%dma_start3A_61, %dma_start3A_62] : memref<5x64xi32, #tpu.memory_space<vmem>> -> memref<1x64xi32, #tpu.memory_space<vmem>>
    %dma_start3A_64 = tpu.memref_squeeze %dma_start3A_63 : memref<1x64xi32, #tpu.memory_space<vmem>> -> memref<64xi32, #tpu.memory_space<vmem>>
    %dma_start3A_65 = tpu.memref_slice %arg3[%add3A_60] : memref<327680xi32, #tpu.memory_space<hbm>> -> memref<64xi32, #tpu.memory_space<hbm>>
    %dma_start3A_66 = arith.constant 0 : i32
    %dma_start3A_67 = tpu.memref_slice %arg10[%dma_start3A_61, %dma_start3A_66] : memref<5x64xi32, #tpu.memory_space<vmem>> -> memref<1x64xi32, #tpu.memory_space<vmem>>
    %dma_start3A_68 = tpu.memref_squeeze %dma_start3A_67 : memref<1x64xi32, #tpu.memory_space<vmem>> -> memref<64xi32, #tpu.memory_space<vmem>>
    %dma_start3A_69 = tpu.memref_slice %arg3[%add3A_60] : memref<327680xi32, #tpu.memory_space<hbm>> -> memref<64xi32, #tpu.memory_space<hbm>>
    tpu.enqueue_dma source(%dma_start3A_69 : memref<64xi32, #tpu.memory_space<hbm>>) target(%dma_start3A_68 : memref<64xi32, #tpu.memory_space<vmem>>) target_semaphore(%arg14 : memref<!tpu.dma_semaphore, #tpu.memory_space<semaphore_mem>>)
    %add3A_70 = arith.constant 192 : i32
    %add3A_71 = arith.addi %mul3A_6, %add3A_70 : i32
    %dma_start3A_72 = arith.constant 3 : i32
    %dma_start3A_73 = arith.constant 0 : i32
    %dma_start3A_74 = tpu.memref_slice %arg11[%dma_start3A_72, %dma_start3A_73] : memref<5x64xi32, #tpu.memory_space<vmem>> -> memref<1x64xi32, #tpu.memory_space<vmem>>
    %dma_start3A_75 = tpu.memref_squeeze %dma_start3A_74 : memref<1x64xi32, #tpu.memory_space<vmem>> -> memref<64xi32, #tpu.memory_space<vmem>>
    %dma_start3A_76 = tpu.memref_slice %arg4[%add3A_71] : memref<163840xi32, #tpu.memory_space<hbm>> -> memref<64xi32, #tpu.memory_space<hbm>>
    %dma_start3A_77 = arith.constant 0 : i32
    %dma_start3A_78 = tpu.memref_slice %arg11[%dma_start3A_72, %dma_start3A_77] : memref<5x64xi32, #tpu.memory_space<vmem>> -> memref<1x64xi32, #tpu.memory_space<vmem>>
    %dma_start3A_79 = tpu.memref_squeeze %dma_start3A_78 : memref<1x64xi32, #tpu.memory_space<vmem>> -> memref<64xi32, #tpu.memory_space<vmem>>
    %dma_start3A_80 = tpu.memref_slice %arg4[%add3A_71] : memref<163840xi32, #tpu.memory_space<hbm>> -> memref<64xi32, #tpu.memory_space<hbm>>
    tpu.enqueue_dma source(%dma_start3A_80 : memref<64xi32, #tpu.memory_space<hbm>>) target(%dma_start3A_79 : memref<64xi32, #tpu.memory_space<vmem>>) target_semaphore(%arg14 : memref<!tpu.dma_semaphore, #tpu.memory_space<semaphore_mem>>)
    %rem3A = arith.constant 3 : i32
    %rem3A_81 = arith.constant 5 : i32
    %rem3A_82 = arith.remsi %rem3A, %rem3A_81 : i32
    %add3A_83 = arith.constant 192 : i32
    %add3A_84 = arith.addi %mul3A_4, %add3A_83 : i32
    %dma_wait3A = arith.constant 0 : i32
    %dma_wait3A_85 = tpu.memref_slice %arg10[%rem3A_82, %dma_wait3A] : memref<5x64xi32, #tpu.memory_space<vmem>> -> memref<1x64xi32, #tpu.memory_space<vmem>>
    %dma_wait3A_86 = tpu.memref_squeeze %dma_wait3A_85 : memref<1x64xi32, #tpu.memory_space<vmem>> -> memref<64xi32, #tpu.memory_space<vmem>>
    %dma_wait3A_87 = tpu.memref_slice %arg3[%add3A_84] : memref<327680xi32, #tpu.memory_space<hbm>> -> memref<64xi32, #tpu.memory_space<hbm>>
    %dma_wait3A_88 = arith.constant 0 : i32
    %dma_wait3A_89 = tpu.memref_slice %arg10[%rem3A_82, %dma_wait3A_88] : memref<5x64xi32, #tpu.memory_space<vmem>> -> memref<1x64xi32, #tpu.memory_space<vmem>>
    %dma_wait3A_90 = tpu.memref_squeeze %dma_wait3A_89 : memref<1x64xi32, #tpu.memory_space<vmem>> -> memref<64xi32, #tpu.memory_space<vmem>>
    %dma_wait3A_91 = tpu.memref_slice %arg3[%add3A_84] : memref<327680xi32, #tpu.memory_space<hbm>> -> memref<64xi32, #tpu.memory_space<hbm>>
    tpu.wait_dma2 semaphore(%arg14 : memref<!tpu.dma_semaphore, #tpu.memory_space<semaphore_mem>>) src(%dma_wait3A_91 : memref<64xi32, #tpu.memory_space<hbm>>) dst(%dma_wait3A_90 : memref<64xi32, #tpu.memory_space<vmem>>)
    %add3A_92 = arith.constant 192 : i32
    %add3A_93 = arith.addi %mul3A_6, %add3A_92 : i32
    %dma_wait3A_94 = arith.constant 0 : i32
    %dma_wait3A_95 = tpu.memref_slice %arg11[%rem3A_82, %dma_wait3A_94] : memref<5x64xi32, #tpu.memory_space<vmem>> -> memref<1x64xi32, #tpu.memory_space<vmem>>
    %dma_wait3A_96 = tpu.memref_squeeze %dma_wait3A_95 : memref<1x64xi32, #tpu.memory_space<vmem>> -> memref<64xi32, #tpu.memory_space<vmem>>
    %dma_wait3A_97 = tpu.memref_slice %arg4[%add3A_93] : memref<163840xi32, #tpu.memory_space<hbm>> -> memref<64xi32, #tpu.memory_space<hbm>>
    %dma_wait3A_98 = arith.constant 0 : i32
    %dma_wait3A_99 = tpu.memref_slice %arg11[%rem3A_82, %dma_wait3A_98] : memref<5x64xi32, #tpu.memory_space<vmem>> -> memref<1x64xi32, #tpu.memory_space<vmem>>
    %dma_wait3A_100 = tpu.memref_squeeze %dma_wait3A_99 : memref<1x64xi32, #tpu.memory_space<vmem>> -> memref<64xi32, #tpu.memory_space<vmem>>
    %dma_wait3A_101 = tpu.memref_slice %arg4[%add3A_93] : memref<163840xi32, #tpu.memory_space<hbm>> -> memref<64xi32, #tpu.memory_space<hbm>>
    tpu.wait_dma2 semaphore(%arg14 : memref<!tpu.dma_semaphore, #tpu.memory_space<semaphore_mem>>) src(%dma_wait3A_101 : memref<64xi32, #tpu.memory_space<hbm>>) dst(%dma_wait3A_100 : memref<64xi32, #tpu.memory_space<vmem>>)
    %rem3A_102 = arith.constant 3 : i32
    %rem3A_103 = arith.constant 4 : i32
    %rem3A_104 = arith.remsi %rem3A_102, %rem3A_103 : i32
    %rem3A_105 = arith.constant 3 : i32
    %rem3A_106 = arith.constant 5 : i32
    %rem3A_107 = arith.remsi %rem3A_105, %rem3A_106 : i32
    %dma_start3A_108 = arith.constant 0 : i32
    %dma_start3A_109 = arith.constant 0 : i32
    %dma_start3A_110 = tpu.memref_slice %arg12[%rem3A_104, %dma_start3A_108, %dma_start3A_109] : memref<4x64x128xf32, #tpu.memory_space<vmem>> -> memref<1x64x128xf32, #tpu.memory_space<vmem>>
    %dma_start3A_111 = tpu.memref_squeeze %dma_start3A_110 : memref<1x64x128xf32, #tpu.memory_space<vmem>> -> memref<64x128xf32, #tpu.memory_space<vmem>>
    %dma_start3A_112 = arith.constant 0 : i32
    %dma_start3A_113 = tpu.memref_slice %arg10[%rem3A_107, %dma_start3A_112] : memref<5x64xi32, #tpu.memory_space<vmem>> -> memref<1x64xi32, #tpu.memory_space<vmem>>
    %dma_start3A_114 = tpu.memref_squeeze %dma_start3A_113 : memref<1x64xi32, #tpu.memory_space<vmem>> -> memref<64xi32, #tpu.memory_space<vmem>>
    %dma_start3A_115 = arith.constant 0 : i32
    %dma_start3A_116 = arith.constant 0 : i32
    %dma_start3A_117 = tpu.memref_slice %arg2[%dma_start3A_115, %dma_start3A_116] : memref<20000x128xf32, #tpu.memory_space<hbm>> -> memref<20000x128xf32, #tpu.memory_space<hbm>>
    tpu.enqueue_indirect_dma source(%dma_start3A_117 : memref<20000x128xf32, #tpu.memory_space<hbm>>) target(%dma_start3A_111 : memref<64x128xf32, #tpu.memory_space<vmem>>) offsets(%dma_start3A_114 : memref<64xi32, #tpu.memory_space<vmem>>) semaphore(%arg13 : memref<!tpu.dma_semaphore, #tpu.memory_space<semaphore_mem>>)
    %rem3A_118 = arith.constant 0 : i32
    %rem3A_119 = arith.constant 4 : i32
    %rem3A_120 = arith.remsi %rem3A_118, %rem3A_119 : i32
    %rem3A_121 = arith.constant 0 : i32
    %rem3A_122 = arith.constant 5 : i32
    %rem3A_123 = arith.remsi %rem3A_121, %rem3A_122 : i32
    %dma_wait3A_124 = arith.constant 0 : i32
    %dma_wait3A_125 = arith.constant 0 : i32
    %dma_wait3A_126 = tpu.memref_slice %arg12[%rem3A_120, %dma_wait3A_124, %dma_wait3A_125] : memref<4x64x128xf32, #tpu.memory_space<vmem>> -> memref<1x64x128xf32, #tpu.memory_space<vmem>>
    %dma_wait3A_127 = tpu.memref_squeeze %dma_wait3A_126 : memref<1x64x128xf32, #tpu.memory_space<vmem>> -> memref<64x128xf32, #tpu.memory_space<vmem>>
    %dma_wait3A_128 = arith.constant 0 : i32
    %dma_wait3A_129 = tpu.memref_slice %arg10[%rem3A_123, %dma_wait3A_128] : memref<5x64xi32, #tpu.memory_space<vmem>> -> memref<1x64xi32, #tpu.memory_space<vmem>>
    %dma_wait3A_130 = tpu.memref_squeeze %dma_wait3A_129 : memref<1x64xi32, #tpu.memory_space<vmem>> -> memref<64xi32, #tpu.memory_space<vmem>>
    %dma_wait3A_131 = arith.constant 0 : i32
    %dma_wait3A_132 = arith.constant 0 : i32
    %dma_wait3A_133 = tpu.memref_slice %arg2[%dma_wait3A_131, %dma_wait3A_132] : memref<20000x128xf32, #tpu.memory_space<hbm>> -> memref<20000x128xf32, #tpu.memory_space<hbm>>
    tpu.wait_indirect_dma semaphore(%arg13 : memref<!tpu.dma_semaphore, #tpu.memory_space<semaphore_mem>>) src(%dma_wait3A_133 : memref<20000x128xf32, #tpu.memory_space<hbm>>) dst(%dma_wait3A_127 : memref<64x128xf32, #tpu.memory_space<vmem>>)
    %rem3A_134 = arith.constant 0 : i32
    %rem3A_135 = arith.constant 4 : i32
    %rem3A_136 = arith.remsi %rem3A_134, %rem3A_135 : i32
    %rem3A_137 = arith.constant 0 : i32
    %rem3A_138 = arith.constant 5 : i32
    %rem3A_139 = arith.remsi %rem3A_137, %rem3A_138 : i32
    %dma_start3A_140 = arith.constant 0 : i32
    %dma_start3A_141 = arith.constant 0 : i32
    %dma_start3A_142 = tpu.memref_slice %arg12[%rem3A_136, %dma_start3A_140, %dma_start3A_141] : memref<4x64x128xf32, #tpu.memory_space<vmem>> -> memref<1x64x128xf32, #tpu.memory_space<vmem>>
    %dma_start3A_143 = tpu.memref_squeeze %dma_start3A_142 : memref<1x64x128xf32, #tpu.memory_space<vmem>> -> memref<64x128xf32, #tpu.memory_space<vmem>>
    %dma_start3A_144 = arith.constant 0 : i32
    %dma_start3A_145 = tpu.memref_slice %arg11[%rem3A_139, %dma_start3A_144] : memref<5x64xi32, #tpu.memory_space<vmem>> -> memref<1x64xi32, #tpu.memory_space<vmem>>
    %dma_start3A_146 = tpu.memref_squeeze %dma_start3A_145 : memref<1x64xi32, #tpu.memory_space<vmem>> -> memref<64xi32, #tpu.memory_space<vmem>>
    %dma_start3A_147 = arith.constant 0 : i32
    %dma_start3A_148 = arith.constant 0 : i32
    %dma_start3A_149 = tpu.memref_slice %arg9[%dma_start3A_147, %dma_start3A_148] : memref<10240x128xf32, #tpu.memory_space<vmem_shared>> -> memref<10240x128xf32, #tpu.memory_space<vmem_shared>>
    tpu.enqueue_indirect_dma source(%dma_start3A_143 : memref<64x128xf32, #tpu.memory_space<vmem>>) target(%dma_start3A_149 : memref<10240x128xf32, #tpu.memory_space<vmem_shared>>) offsets(%dma_start3A_146 : memref<64xi32, #tpu.memory_space<vmem>>) semaphore(%arg15 : memref<!tpu.dma_semaphore, #tpu.memory_space<semaphore_mem>>) {add = true}
    %rem3A_150 = arith.constant 4 : i32
    %rem3A_151 = arith.constant 5 : i32
    %rem3A_152 = arith.remsi %rem3A_150, %rem3A_151 : i32
    %add3A_153 = arith.constant 256 : i32
    %add3A_154 = arith.addi %mul3A_4, %add3A_153 : i32
    %dma_start3A_155 = arith.constant 0 : i32
    %dma_start3A_156 = tpu.memref_slice %arg10[%rem3A_152, %dma_start3A_155] : memref<5x64xi32, #tpu.memory_space<vmem>> -> memref<1x64xi32, #tpu.memory_space<vmem>>
    %dma_start3A_157 = tpu.memref_squeeze %dma_start3A_156 : memref<1x64xi32, #tpu.memory_space<vmem>> -> memref<64xi32, #tpu.memory_space<vmem>>
    %dma_start3A_158 = tpu.memref_slice %arg3[%add3A_154] : memref<327680xi32, #tpu.memory_space<hbm>> -> memref<64xi32, #tpu.memory_space<hbm>>
    %dma_start3A_159 = arith.constant 0 : i32
    %dma_start3A_160 = tpu.memref_slice %arg10[%rem3A_152, %dma_start3A_159] : memref<5x64xi32, #tpu.memory_space<vmem>> -> memref<1x64xi32, #tpu.memory_space<vmem>>
    %dma_start3A_161 = tpu.memref_squeeze %dma_start3A_160 : memref<1x64xi32, #tpu.memory_space<vmem>> -> memref<64xi32, #tpu.memory_space<vmem>>
    %dma_start3A_162 = tpu.memref_slice %arg3[%add3A_154] : memref<327680xi32, #tpu.memory_space<hbm>> -> memref<64xi32, #tpu.memory_space<hbm>>
    tpu.enqueue_dma source(%dma_start3A_162 : memref<64xi32, #tpu.memory_space<hbm>>) target(%dma_start3A_161 : memref<64xi32, #tpu.memory_space<vmem>>) target_semaphore(%arg14 : memref<!tpu.dma_semaphore, #tpu.memory_space<semaphore_mem>>)
    %add3A_163 = arith.constant 256 : i32
    %add3A_164 = arith.addi %mul3A_6, %add3A_163 : i32
    %dma_start3A_165 = arith.constant 0 : i32
    %dma_start3A_166 = tpu.memref_slice %arg11[%rem3A_152, %dma_start3A_165] : memref<5x64xi32, #tpu.memory_space<vmem>> -> memref<1x64xi32, #tpu.memory_space<vmem>>
    %dma_start3A_167 = tpu.memref_squeeze %dma_start3A_166 : memref<1x64xi32, #tpu.memory_space<vmem>> -> memref<64xi32, #tpu.memory_space<vmem>>
    %dma_start3A_168 = tpu.memref_slice %arg4[%add3A_164] : memref<163840xi32, #tpu.memory_space<hbm>> -> memref<64xi32, #tpu.memory_space<hbm>>
    %dma_start3A_169 = arith.constant 0 : i32
    %dma_start3A_170 = tpu.memref_slice %arg11[%rem3A_152, %dma_start3A_169] : memref<5x64xi32, #tpu.memory_space<vmem>> -> memref<1x64xi32, #tpu.memory_space<vmem>>
    %dma_start3A_171 = tpu.memref_squeeze %dma_start3A_170 : memref<1x64xi32, #tpu.memory_space<vmem>> -> memref<64xi32, #tpu.memory_space<vmem>>
    %dma_start3A_172 = tpu.memref_slice %arg4[%add3A_164] : memref<163840xi32, #tpu.memory_space<hbm>> -> memref<64xi32, #tpu.memory_space<hbm>>
    tpu.enqueue_dma source(%dma_start3A_172 : memref<64xi32, #tpu.memory_space<hbm>>) target(%dma_start3A_171 : memref<64xi32, #tpu.memory_space<vmem>>) target_semaphore(%arg14 : memref<!tpu.dma_semaphore, #tpu.memory_space<semaphore_mem>>)
    %scan3A = arith.constant 0 : i32
    %scan3A_173 = arith.constant 155 : i32
    %scan3A_174 = arith.addi %scan3A, %scan3A_173 : i32
    %scan3A_175 = arith.constant 1 : i32
    scf.for %scan3A_629 = %scan3A to %scan3A_174 step %scan3A_175  : i32 {
      %mul3A_630 = arith.constant 1 : i32
      %mul3A_631 = arith.muli %scan3A_629, %mul3A_630 : i32
      %add3A_632 = arith.constant 1 : i32
      %add3A_633 = arith.addi %add3A_632, %mul3A_631 : i32
      %add3A_634 = arith.constant 3 : i32
      %add3A_635 = arith.addi %add3A_633, %add3A_634 : i32
      %rem3A_636 = arith.constant 4 : i32
      %rem3A_637 = arith.remsi %add3A_635, %rem3A_636 : i32
      %add3A_638 = arith.constant 4 : i32
      %add3A_639 = arith.addi %add3A_633, %add3A_638 : i32
      %rem3A_640 = arith.constant 5 : i32
      %rem3A_641 = arith.remsi %add3A_639, %rem3A_640 : i32
      %dma_wait3A_642 = arith.constant 0 : i32
      %dma_wait3A_643 = arith.constant 0 : i32
      %dma_wait3A_644 = tpu.memref_slice %arg12[%rem3A_637, %dma_wait3A_642, %dma_wait3A_643] : memref<4x64x128xf32, #tpu.memory_space<vmem>> -> memref<1x64x128xf32, #tpu.memory_space<vmem>>
      %dma_wait3A_645 = tpu.memref_squeeze %dma_wait3A_644 : memref<1x64x128xf32, #tpu.memory_space<vmem>> -> memref<64x128xf32, #tpu.memory_space<vmem>>
      %dma_wait3A_646 = arith.constant 0 : i32
      %dma_wait3A_647 = tpu.memref_slice %arg11[%rem3A_641, %dma_wait3A_646] : memref<5x64xi32, #tpu.memory_space<vmem>> -> memref<1x64xi32, #tpu.memory_space<vmem>>
      %dma_wait3A_648 = tpu.memref_squeeze %dma_wait3A_647 : memref<1x64xi32, #tpu.memory_space<vmem>> -> memref<64xi32, #tpu.memory_space<vmem>>
      %dma_wait3A_649 = arith.constant 0 : i32
      %dma_wait3A_650 = arith.constant 0 : i32
      %dma_wait3A_651 = tpu.memref_slice %arg9[%dma_wait3A_649, %dma_wait3A_650] : memref<10240x128xf32, #tpu.memory_space<vmem_shared>> -> memref<10240x128xf32, #tpu.memory_space<vmem_shared>>
      tpu.wait_indirect_dma semaphore(%arg15 : memref<!tpu.dma_semaphore, #tpu.memory_space<semaphore_mem>>) src(%dma_wait3A_645 : memref<64x128xf32, #tpu.memory_space<vmem>>) dst(%dma_wait3A_651 : memref<10240x128xf32, #tpu.memory_space<vmem_shared>>)
      %add3A_652 = arith.constant 3 : i32
      %add3A_653 = arith.addi %add3A_633, %add3A_652 : i32
      %add3A_654 = arith.constant 3 : i32
      %add3A_655 = arith.addi %add3A_633, %add3A_654 : i32
      %rem3A_656 = arith.constant 5 : i32
      %rem3A_657 = arith.remsi %add3A_655, %rem3A_656 : i32
      %mul3A_658 = arith.constant 64 : i32
      %mul3A_659 = arith.muli %add3A_653, %mul3A_658 : i32
      %add3A_660 = arith.addi %mul3A_4, %mul3A_659 : i32
      %dma_wait3A_661 = arith.constant 0 : i32
      %dma_wait3A_662 = tpu.memref_slice %arg10[%rem3A_657, %dma_wait3A_661] : memref<5x64xi32, #tpu.memory_space<vmem>> -> memref<1x64xi32, #tpu.memory_space<vmem>>
      %dma_wait3A_663 = tpu.memref_squeeze %dma_wait3A_662 : memref<1x64xi32, #tpu.memory_space<vmem>> -> memref<64xi32, #tpu.memory_space<vmem>>
      %dma_wait3A_664 = tpu.memref_slice %arg3[%add3A_660] : memref<327680xi32, #tpu.memory_space<hbm>> -> memref<64xi32, #tpu.memory_space<hbm>>
      %dma_wait3A_665 = arith.constant 0 : i32
      %dma_wait3A_666 = tpu.memref_slice %arg10[%rem3A_657, %dma_wait3A_665] : memref<5x64xi32, #tpu.memory_space<vmem>> -> memref<1x64xi32, #tpu.memory_space<vmem>>
      %dma_wait3A_667 = tpu.memref_squeeze %dma_wait3A_666 : memref<1x64xi32, #tpu.memory_space<vmem>> -> memref<64xi32, #tpu.memory_space<vmem>>
      %dma_wait3A_668 = tpu.memref_slice %arg3[%add3A_660] : memref<327680xi32, #tpu.memory_space<hbm>> -> memref<64xi32, #tpu.memory_space<hbm>>
      tpu.wait_dma2 semaphore(%arg14 : memref<!tpu.dma_semaphore, #tpu.memory_space<semaphore_mem>>) src(%dma_wait3A_668 : memref<64xi32, #tpu.memory_space<hbm>>) dst(%dma_wait3A_667 : memref<64xi32, #tpu.memory_space<vmem>>)
      %mul3A_669 = arith.constant 64 : i32
      %mul3A_670 = arith.muli %add3A_653, %mul3A_669 : i32
      %add3A_671 = arith.addi %mul3A_6, %mul3A_670 : i32
      %dma_wait3A_672 = arith.constant 0 : i32
      %dma_wait3A_673 = tpu.memref_slice %arg11[%rem3A_657, %dma_wait3A_672] : memref<5x64xi32, #tpu.memory_space<vmem>> -> memref<1x64xi32, #tpu.memory_space<vmem>>
      %dma_wait3A_674 = tpu.memref_squeeze %dma_wait3A_673 : memref<1x64xi32, #tpu.memory_space<vmem>> -> memref<64xi32, #tpu.memory_space<vmem>>
      %dma_wait3A_675 = tpu.memref_slice %arg4[%add3A_671] : memref<163840xi32, #tpu.memory_space<hbm>> -> memref<64xi32, #tpu.memory_space<hbm>>
      %dma_wait3A_676 = arith.constant 0 : i32
      %dma_wait3A_677 = tpu.memref_slice %arg11[%rem3A_657, %dma_wait3A_676] : memref<5x64xi32, #tpu.memory_space<vmem>> -> memref<1x64xi32, #tpu.memory_space<vmem>>
      %dma_wait3A_678 = tpu.memref_squeeze %dma_wait3A_677 : memref<1x64xi32, #tpu.memory_space<vmem>> -> memref<64xi32, #tpu.memory_space<vmem>>
      %dma_wait3A_679 = tpu.memref_slice %arg4[%add3A_671] : memref<163840xi32, #tpu.memory_space<hbm>> -> memref<64xi32, #tpu.memory_space<hbm>>
      tpu.wait_dma2 semaphore(%arg14 : memref<!tpu.dma_semaphore, #tpu.memory_space<semaphore_mem>>) src(%dma_wait3A_679 : memref<64xi32, #tpu.memory_space<hbm>>) dst(%dma_wait3A_678 : memref<64xi32, #tpu.memory_space<vmem>>)
      %add3A_680 = arith.constant 3 : i32
      %add3A_681 = arith.addi %add3A_633, %add3A_680 : i32
      %rem3A_682 = arith.constant 4 : i32
      %rem3A_683 = arith.remsi %add3A_681, %rem3A_682 : i32
      %add3A_684 = arith.constant 3 : i32
      %add3A_685 = arith.addi %add3A_633, %add3A_684 : i32
      %rem3A_686 = arith.constant 5 : i32
      %rem3A_687 = arith.remsi %add3A_685, %rem3A_686 : i32
      %dma_start3A_688 = arith.constant 0 : i32
      %dma_start3A_689 = arith.constant 0 : i32
      %dma_start3A_690 = tpu.memref_slice %arg12[%rem3A_683, %dma_start3A_688, %dma_start3A_689] : memref<4x64x128xf32, #tpu.memory_space<vmem>> -> memref<1x64x128xf32, #tpu.memory_space<vmem>>
      %dma_start3A_691 = tpu.memref_squeeze %dma_start3A_690 : memref<1x64x128xf32, #tpu.memory_space<vmem>> -> memref<64x128xf32, #tpu.memory_space<vmem>>
      %dma_start3A_692 = arith.constant 0 : i32
      %dma_start3A_693 = tpu.memref_slice %arg10[%rem3A_687, %dma_start3A_692] : memref<5x64xi32, #tpu.memory_space<vmem>> -> memref<1x64xi32, #tpu.memory_space<vmem>>
      %dma_start3A_694 = tpu.memref_squeeze %dma_start3A_693 : memref<1x64xi32, #tpu.memory_space<vmem>> -> memref<64xi32, #tpu.memory_space<vmem>>
      %dma_start3A_695 = arith.constant 0 : i32
      %dma_start3A_696 = arith.constant 0 : i32
      %dma_start3A_697 = tpu.memref_slice %arg2[%dma_start3A_695, %dma_start3A_696] : memref<20000x128xf32, #tpu.memory_space<hbm>> -> memref<20000x128xf32, #tpu.memory_space<hbm>>
      tpu.enqueue_indirect_dma source(%dma_start3A_697 : memref<20000x128xf32, #tpu.memory_space<hbm>>) target(%dma_start3A_691 : memref<64x128xf32, #tpu.memory_space<vmem>>) offsets(%dma_start3A_694 : memref<64xi32, #tpu.memory_space<vmem>>) semaphore(%arg13 : memref<!tpu.dma_semaphore, #tpu.memory_space<semaphore_mem>>)
      %rem3A_698 = arith.constant 4 : i32
      %rem3A_699 = arith.remsi %add3A_633, %rem3A_698 : i32
      %rem3A_700 = arith.constant 5 : i32
      %rem3A_701 = arith.remsi %add3A_633, %rem3A_700 : i32
      %dma_wait3A_702 = arith.constant 0 : i32
      %dma_wait3A_703 = arith.constant 0 : i32
      %dma_wait3A_704 = tpu.memref_slice %arg12[%rem3A_699, %dma_wait3A_702, %dma_wait3A_703] : memref<4x64x128xf32, #tpu.memory_space<vmem>> -> memref<1x64x128xf32, #tpu.memory_space<vmem>>
      %dma_wait3A_705 = tpu.memref_squeeze %dma_wait3A_704 : memref<1x64x128xf32, #tpu.memory_space<vmem>> -> memref<64x128xf32, #tpu.memory_space<vmem>>
      %dma_wait3A_706 = arith.constant 0 : i32
      %dma_wait3A_707 = tpu.memref_slice %arg10[%rem3A_701, %dma_wait3A_706] : memref<5x64xi32, #tpu.memory_space<vmem>> -> memref<1x64xi32, #tpu.memory_space<vmem>>
      %dma_wait3A_708 = tpu.memref_squeeze %dma_wait3A_707 : memref<1x64xi32, #tpu.memory_space<vmem>> -> memref<64xi32, #tpu.memory_space<vmem>>
      %dma_wait3A_709 = arith.constant 0 : i32
      %dma_wait3A_710 = arith.constant 0 : i32
      %dma_wait3A_711 = tpu.memref_slice %arg2[%dma_wait3A_709, %dma_wait3A_710] : memref<20000x128xf32, #tpu.memory_space<hbm>> -> memref<20000x128xf32, #tpu.memory_space<hbm>>
      tpu.wait_indirect_dma semaphore(%arg13 : memref<!tpu.dma_semaphore, #tpu.memory_space<semaphore_mem>>) src(%dma_wait3A_711 : memref<20000x128xf32, #tpu.memory_space<hbm>>) dst(%dma_wait3A_705 : memref<64x128xf32, #tpu.memory_space<vmem>>)
      %rem3A_712 = arith.constant 4 : i32
      %rem3A_713 = arith.remsi %add3A_633, %rem3A_712 : i32
      %rem3A_714 = arith.constant 5 : i32
      %rem3A_715 = arith.remsi %add3A_633, %rem3A_714 : i32
      %dma_start3A_716 = arith.constant 0 : i32
      %dma_start3A_717 = arith.constant 0 : i32
      %dma_start3A_718 = tpu.memref_slice %arg12[%rem3A_713, %dma_start3A_716, %dma_start3A_717] : memref<4x64x128xf32, #tpu.memory_space<vmem>> -> memref<1x64x128xf32, #tpu.memory_space<vmem>>
      %dma_start3A_719 = tpu.memref_squeeze %dma_start3A_718 : memref<1x64x128xf32, #tpu.memory_space<vmem>> -> memref<64x128xf32, #tpu.memory_space<vmem>>
      %dma_start3A_720 = arith.constant 0 : i32
      %dma_start3A_721 = tpu.memref_slice %arg11[%rem3A_715, %dma_start3A_720] : memref<5x64xi32, #tpu.memory_space<vmem>> -> memref<1x64xi32, #tpu.memory_space<vmem>>
      %dma_start3A_722 = tpu.memref_squeeze %dma_start3A_721 : memref<1x64xi32, #tpu.memory_space<vmem>> -> memref<64xi32, #tpu.memory_space<vmem>>
      %dma_start3A_723 = arith.constant 0 : i32
      %dma_start3A_724 = arith.constant 0 : i32
      %dma_start3A_725 = tpu.memref_slice %arg9[%dma_start3A_723, %dma_start3A_724] : memref<10240x128xf32, #tpu.memory_space<vmem_shared>> -> memref<10240x128xf32, #tpu.memory_space<vmem_shared>>
      tpu.enqueue_indirect_dma source(%dma_start3A_719 : memref<64x128xf32, #tpu.memory_space<vmem>>) target(%dma_start3A_725 : memref<10240x128xf32, #tpu.memory_space<vmem_shared>>) offsets(%dma_start3A_722 : memref<64xi32, #tpu.memory_space<vmem>>) semaphore(%arg15 : memref<!tpu.dma_semaphore, #tpu.memory_space<semaphore_mem>>) {add = true}
      %add3A_726 = arith.constant 4 : i32
      %add3A_727 = arith.addi %add3A_633, %add3A_726 : i32
      %add3A_728 = arith.constant 4 : i32
      %add3A_729 = arith.addi %add3A_633, %add3A_728 : i32
      %rem3A_730 = arith.constant 5 : i32
      %rem3A_731 = arith.remsi %add3A_729, %rem3A_730 : i32
      %mul3A_732 = arith.constant 64 : i32
      %mul3A_733 = arith.muli %add3A_727, %mul3A_732 : i32
      %add3A_734 = arith.addi %mul3A_4, %mul3A_733 : i32
      %dma_start3A_735 = arith.constant 0 : i32
      %dma_start3A_736 = tpu.memref_slice %arg10[%rem3A_731, %dma_start3A_735] : memref<5x64xi32, #tpu.memory_space<vmem>> -> memref<1x64xi32, #tpu.memory_space<vmem>>
      %dma_start3A_737 = tpu.memref_squeeze %dma_start3A_736 : memref<1x64xi32, #tpu.memory_space<vmem>> -> memref<64xi32, #tpu.memory_space<vmem>>
      %dma_start3A_738 = tpu.memref_slice %arg3[%add3A_734] : memref<327680xi32, #tpu.memory_space<hbm>> -> memref<64xi32, #tpu.memory_space<hbm>>
      %dma_start3A_739 = arith.constant 0 : i32
      %dma_start3A_740 = tpu.memref_slice %arg10[%rem3A_731, %dma_start3A_739] : memref<5x64xi32, #tpu.memory_space<vmem>> -> memref<1x64xi32, #tpu.memory_space<vmem>>
      %dma_start3A_741 = tpu.memref_squeeze %dma_start3A_740 : memref<1x64xi32, #tpu.memory_space<vmem>> -> memref<64xi32, #tpu.memory_space<vmem>>
      %dma_start3A_742 = tpu.memref_slice %arg3[%add3A_734] : memref<327680xi32, #tpu.memory_space<hbm>> -> memref<64xi32, #tpu.memory_space<hbm>>
      tpu.enqueue_dma source(%dma_start3A_742 : memref<64xi32, #tpu.memory_space<hbm>>) target(%dma_start3A_741 : memref<64xi32, #tpu.memory_space<vmem>>) target_semaphore(%arg14 : memref<!tpu.dma_semaphore, #tpu.memory_space<semaphore_mem>>)
      %mul3A_743 = arith.constant 64 : i32
      %mul3A_744 = arith.muli %add3A_727, %mul3A_743 : i32
      %add3A_745 = arith.addi %mul3A_6, %mul3A_744 : i32
      %dma_start3A_746 = arith.constant 0 : i32
      %dma_start3A_747 = tpu.memref_slice %arg11[%rem3A_731, %dma_start3A_746] : memref<5x64xi32, #tpu.memory_space<vmem>> -> memref<1x64xi32, #tpu.memory_space<vmem>>
      %dma_start3A_748 = tpu.memref_squeeze %dma_start3A_747 : memref<1x64xi32, #tpu.memory_space<vmem>> -> memref<64xi32, #tpu.memory_space<vmem>>
      %dma_start3A_749 = tpu.memref_slice %arg4[%add3A_745] : memref<163840xi32, #tpu.memory_space<hbm>> -> memref<64xi32, #tpu.memory_space<hbm>>
      %dma_start3A_750 = arith.constant 0 : i32
      %dma_start3A_751 = tpu.memref_slice %arg11[%rem3A_731, %dma_start3A_750] : memref<5x64xi32, #tpu.memory_space<vmem>> -> memref<1x64xi32, #tpu.memory_space<vmem>>
      %dma_start3A_752 = tpu.memref_squeeze %dma_start3A_751 : memref<1x64xi32, #tpu.memory_space<vmem>> -> memref<64xi32, #tpu.memory_space<vmem>>
      %dma_start3A_753 = tpu.memref_slice %arg4[%add3A_745] : memref<163840xi32, #tpu.memory_space<hbm>> -> memref<64xi32, #tpu.memory_space<hbm>>
      tpu.enqueue_dma source(%dma_start3A_753 : memref<64xi32, #tpu.memory_space<hbm>>) target(%dma_start3A_752 : memref<64xi32, #tpu.memory_space<vmem>>) target_semaphore(%arg14 : memref<!tpu.dma_semaphore, #tpu.memory_space<semaphore_mem>>)
    }
    %scan3A_176 = arith.constant 155 : i32
    %rem3A_177 = arith.constant 159 : i32
    %rem3A_178 = arith.constant 4 : i32
    %rem3A_179 = arith.remsi %rem3A_177, %rem3A_178 : i32
    %rem3A_180 = arith.constant 160 : i32
    %rem3A_181 = arith.constant 5 : i32
    %rem3A_182 = arith.remsi %rem3A_180, %rem3A_181 : i32
    %dma_wait3A_183 = arith.constant 0 : i32
    %dma_wait3A_184 = arith.constant 0 : i32
    %dma_wait3A_185 = tpu.memref_slice %arg12[%rem3A_179, %dma_wait3A_183, %dma_wait3A_184] : memref<4x64x128xf32, #tpu.memory_space<vmem>> -> memref<1x64x128xf32, #tpu.memory_space<vmem>>
    %dma_wait3A_186 = tpu.memref_squeeze %dma_wait3A_185 : memref<1x64x128xf32, #tpu.memory_space<vmem>> -> memref<64x128xf32, #tpu.memory_space<vmem>>
    %dma_wait3A_187 = arith.constant 0 : i32
    %dma_wait3A_188 = tpu.memref_slice %arg11[%rem3A_182, %dma_wait3A_187] : memref<5x64xi32, #tpu.memory_space<vmem>> -> memref<1x64xi32, #tpu.memory_space<vmem>>
    %dma_wait3A_189 = tpu.memref_squeeze %dma_wait3A_188 : memref<1x64xi32, #tpu.memory_space<vmem>> -> memref<64xi32, #tpu.memory_space<vmem>>
    %dma_wait3A_190 = arith.constant 0 : i32
    %dma_wait3A_191 = arith.constant 0 : i32
    %dma_wait3A_192 = tpu.memref_slice %arg9[%dma_wait3A_190, %dma_wait3A_191] : memref<10240x128xf32, #tpu.memory_space<vmem_shared>> -> memref<10240x128xf32, #tpu.memory_space<vmem_shared>>
    tpu.wait_indirect_dma semaphore(%arg15 : memref<!tpu.dma_semaphore, #tpu.memory_space<semaphore_mem>>) src(%dma_wait3A_186 : memref<64x128xf32, #tpu.memory_space<vmem>>) dst(%dma_wait3A_192 : memref<10240x128xf32, #tpu.memory_space<vmem_shared>>)
    %rem3A_193 = arith.constant 159 : i32
    %rem3A_194 = arith.constant 5 : i32
    %rem3A_195 = arith.remsi %rem3A_193, %rem3A_194 : i32
    %add3A_196 = arith.constant 10176 : i32
    %add3A_197 = arith.addi %mul3A_4, %add3A_196 : i32
    %dma_wait3A_198 = arith.constant 0 : i32
    %dma_wait3A_199 = tpu.memref_slice %arg10[%rem3A_195, %dma_wait3A_198] : memref<5x64xi32, #tpu.memory_space<vmem>> -> memref<1x64xi32, #tpu.memory_space<vmem>>
    %dma_wait3A_200 = tpu.memref_squeeze %dma_wait3A_199 : memref<1x64xi32, #tpu.memory_space<vmem>> -> memref<64xi32, #tpu.memory_space<vmem>>
    %dma_wait3A_201 = tpu.memref_slice %arg3[%add3A_197] : memref<327680xi32, #tpu.memory_space<hbm>> -> memref<64xi32, #tpu.memory_space<hbm>>
    %dma_wait3A_202 = arith.constant 0 : i32
    %dma_wait3A_203 = tpu.memref_slice %arg10[%rem3A_195, %dma_wait3A_202] : memref<5x64xi32, #tpu.memory_space<vmem>> -> memref<1x64xi32, #tpu.memory_space<vmem>>
    %dma_wait3A_204 = tpu.memref_squeeze %dma_wait3A_203 : memref<1x64xi32, #tpu.memory_space<vmem>> -> memref<64xi32, #tpu.memory_space<vmem>>
    %dma_wait3A_205 = tpu.memref_slice %arg3[%add3A_197] : memref<327680xi32, #tpu.memory_space<hbm>> -> memref<64xi32, #tpu.memory_space<hbm>>
    tpu.wait_dma2 semaphore(%arg14 : memref<!tpu.dma_semaphore, #tpu.memory_space<semaphore_mem>>) src(%dma_wait3A_205 : memref<64xi32, #tpu.memory_space<hbm>>) dst(%dma_wait3A_204 : memref<64xi32, #tpu.memory_space<vmem>>)
    %add3A_206 = arith.constant 10176 : i32
    %add3A_207 = arith.addi %mul3A_6, %add3A_206 : i32
    %dma_wait3A_208 = arith.constant 0 : i32
    %dma_wait3A_209 = tpu.memref_slice %arg11[%rem3A_195, %dma_wait3A_208] : memref<5x64xi32, #tpu.memory_space<vmem>> -> memref<1x64xi32, #tpu.memory_space<vmem>>
    %dma_wait3A_210 = tpu.memref_squeeze %dma_wait3A_209 : memref<1x64xi32, #tpu.memory_space<vmem>> -> memref<64xi32, #tpu.memory_space<vmem>>
    %dma_wait3A_211 = tpu.memref_slice %arg4[%add3A_207] : memref<163840xi32, #tpu.memory_space<hbm>> -> memref<64xi32, #tpu.memory_space<hbm>>
    %dma_wait3A_212 = arith.constant 0 : i32
    %dma_wait3A_213 = tpu.memref_slice %arg11[%rem3A_195, %dma_wait3A_212] : memref<5x64xi32, #tpu.memory_space<vmem>> -> memref<1x64xi32, #tpu.memory_space<vmem>>
    %dma_wait3A_214 = tpu.memref_squeeze %dma_wait3A_213 : memref<1x64xi32, #tpu.memory_space<vmem>> -> memref<64xi32, #tpu.memory_space<vmem>>
    %dma_wait3A_215 = tpu.memref_slice %arg4[%add3A_207] : memref<163840xi32, #tpu.memory_space<hbm>> -> memref<64xi32, #tpu.memory_space<hbm>>
    tpu.wait_dma2 semaphore(%arg14 : memref<!tpu.dma_semaphore, #tpu.memory_space<semaphore_mem>>) src(%dma_wait3A_215 : memref<64xi32, #tpu.memory_space<hbm>>) dst(%dma_wait3A_214 : memref<64xi32, #tpu.memory_space<vmem>>)
    %rem3A_216 = arith.constant 159 : i32
    %rem3A_217 = arith.constant 4 : i32
    %rem3A_218 = arith.remsi %rem3A_216, %rem3A_217 : i32
    %rem3A_219 = arith.constant 159 : i32
    %rem3A_220 = arith.constant 5 : i32
    %rem3A_221 = arith.remsi %rem3A_219, %rem3A_220 : i32
    %dma_start3A_222 = arith.constant 0 : i32
    %dma_start3A_223 = arith.constant 0 : i32
    %dma_start3A_224 = tpu.memref_slice %arg12[%rem3A_218, %dma_start3A_222, %dma_start3A_223] : memref<4x64x128xf32, #tpu.memory_space<vmem>> -> memref<1x64x128xf32, #tpu.memory_space<vmem>>
    %dma_start3A_225 = tpu.memref_squeeze %dma_start3A_224 : memref<1x64x128xf32, #tpu.memory_space<vmem>> -> memref<64x128xf32, #tpu.memory_space<vmem>>
    %dma_start3A_226 = arith.constant 0 : i32
    %dma_start3A_227 = tpu.memref_slice %arg10[%rem3A_221, %dma_start3A_226] : memref<5x64xi32, #tpu.memory_space<vmem>> -> memref<1x64xi32, #tpu.memory_space<vmem>>
    %dma_start3A_228 = tpu.memref_squeeze %dma_start3A_227 : memref<1x64xi32, #tpu.memory_space<vmem>> -> memref<64xi32, #tpu.memory_space<vmem>>
    %dma_start3A_229 = arith.constant 0 : i32
    %dma_start3A_230 = arith.constant 0 : i32
    %dma_start3A_231 = tpu.memref_slice %arg2[%dma_start3A_229, %dma_start3A_230] : memref<20000x128xf32, #tpu.memory_space<hbm>> -> memref<20000x128xf32, #tpu.memory_space<hbm>>
    tpu.enqueue_indirect_dma source(%dma_start3A_231 : memref<20000x128xf32, #tpu.memory_space<hbm>>) target(%dma_start3A_225 : memref<64x128xf32, #tpu.memory_space<vmem>>) offsets(%dma_start3A_228 : memref<64xi32, #tpu.memory_space<vmem>>) semaphore(%arg13 : memref<!tpu.dma_semaphore, #tpu.memory_space<semaphore_mem>>)
    %rem3A_232 = arith.constant 156 : i32
    %rem3A_233 = arith.constant 4 : i32
    %rem3A_234 = arith.remsi %rem3A_232, %rem3A_233 : i32
    %rem3A_235 = arith.constant 156 : i32
    %rem3A_236 = arith.constant 5 : i32
    %rem3A_237 = arith.remsi %rem3A_235, %rem3A_236 : i32
    %dma_wait3A_238 = arith.constant 0 : i32
    %dma_wait3A_239 = arith.constant 0 : i32
    %dma_wait3A_240 = tpu.memref_slice %arg12[%rem3A_234, %dma_wait3A_238, %dma_wait3A_239] : memref<4x64x128xf32, #tpu.memory_space<vmem>> -> memref<1x64x128xf32, #tpu.memory_space<vmem>>
    %dma_wait3A_241 = tpu.memref_squeeze %dma_wait3A_240 : memref<1x64x128xf32, #tpu.memory_space<vmem>> -> memref<64x128xf32, #tpu.memory_space<vmem>>
    %dma_wait3A_242 = arith.constant 0 : i32
    %dma_wait3A_243 = tpu.memref_slice %arg10[%rem3A_237, %dma_wait3A_242] : memref<5x64xi32, #tpu.memory_space<vmem>> -> memref<1x64xi32, #tpu.memory_space<vmem>>
    %dma_wait3A_244 = tpu.memref_squeeze %dma_wait3A_243 : memref<1x64xi32, #tpu.memory_space<vmem>> -> memref<64xi32, #tpu.memory_space<vmem>>
    %dma_wait3A_245 = arith.constant 0 : i32
    %dma_wait3A_246 = arith.constant 0 : i32
    %dma_wait3A_247 = tpu.memref_slice %arg2[%dma_wait3A_245, %dma_wait3A_246] : memref<20000x128xf32, #tpu.memory_space<hbm>> -> memref<20000x128xf32, #tpu.memory_space<hbm>>
    tpu.wait_indirect_dma semaphore(%arg13 : memref<!tpu.dma_semaphore, #tpu.memory_space<semaphore_mem>>) src(%dma_wait3A_247 : memref<20000x128xf32, #tpu.memory_space<hbm>>) dst(%dma_wait3A_241 : memref<64x128xf32, #tpu.memory_space<vmem>>)
    %rem3A_248 = arith.constant 156 : i32
    %rem3A_249 = arith.constant 4 : i32
    %rem3A_250 = arith.remsi %rem3A_248, %rem3A_249 : i32
    %rem3A_251 = arith.constant 156 : i32
    %rem3A_252 = arith.constant 5 : i32
    %rem3A_253 = arith.remsi %rem3A_251, %rem3A_252 : i32
    %dma_start3A_254 = arith.constant 0 : i32
    %dma_start3A_255 = arith.constant 0 : i32
    %dma_start3A_256 = tpu.memref_slice %arg12[%rem3A_250, %dma_start3A_254, %dma_start3A_255] : memref<4x64x128xf32, #tpu.memory_space<vmem>> -> memref<1x64x128xf32, #tpu.memory_space<vmem>>
    %dma_start3A_257 = tpu.memref_squeeze %dma_start3A_256 : memref<1x64x128xf32, #tpu.memory_space<vmem>> -> memref<64x128xf32, #tpu.memory_space<vmem>>
    %dma_start3A_258 = arith.constant 0 : i32
    %dma_start3A_259 = tpu.memref_slice %arg11[%rem3A_253, %dma_start3A_258] : memref<5x64xi32, #tpu.memory_space<vmem>> -> memref<1x64xi32, #tpu.memory_space<vmem>>
    %dma_start3A_260 = tpu.memref_squeeze %dma_start3A_259 : memref<1x64xi32, #tpu.memory_space<vmem>> -> memref<64xi32, #tpu.memory_space<vmem>>
    %dma_start3A_261 = arith.constant 0 : i32
    %dma_start3A_262 = arith.constant 0 : i32
    %dma_start3A_263 = tpu.memref_slice %arg9[%dma_start3A_261, %dma_start3A_262] : memref<10240x128xf32, #tpu.memory_space<vmem_shared>> -> memref<10240x128xf32, #tpu.memory_space<vmem_shared>>
    tpu.enqueue_indirect_dma source(%dma_start3A_257 : memref<64x128xf32, #tpu.memory_space<vmem>>) target(%dma_start3A_263 : memref<10240x128xf32, #tpu.memory_space<vmem_shared>>) offsets(%dma_start3A_260 : memref<64xi32, #tpu.memory_space<vmem>>) semaphore(%arg15 : memref<!tpu.dma_semaphore, #tpu.memory_space<semaphore_mem>>) {add = true}
    %rem3A_264 = arith.constant 160 : i32
    %rem3A_265 = arith.constant 4 : i32
    %rem3A_266 = arith.remsi %rem3A_264, %rem3A_265 : i32
    %rem3A_267 = arith.constant 161 : i32
    %rem3A_268 = arith.constant 5 : i32
    %rem3A_269 = arith.remsi %rem3A_267, %rem3A_268 : i32
    %dma_wait3A_270 = arith.constant 0 : i32
    %dma_wait3A_271 = arith.constant 0 : i32
    %dma_wait3A_272 = tpu.memref_slice %arg12[%rem3A_266, %dma_wait3A_270, %dma_wait3A_271] : memref<4x64x128xf32, #tpu.memory_space<vmem>> -> memref<1x64x128xf32, #tpu.memory_space<vmem>>
    %dma_wait3A_273 = tpu.memref_squeeze %dma_wait3A_272 : memref<1x64x128xf32, #tpu.memory_space<vmem>> -> memref<64x128xf32, #tpu.memory_space<vmem>>
    %dma_wait3A_274 = arith.constant 0 : i32
    %dma_wait3A_275 = tpu.memref_slice %arg11[%rem3A_269, %dma_wait3A_274] : memref<5x64xi32, #tpu.memory_space<vmem>> -> memref<1x64xi32, #tpu.memory_space<vmem>>
    %dma_wait3A_276 = tpu.memref_squeeze %dma_wait3A_275 : memref<1x64xi32, #tpu.memory_space<vmem>> -> memref<64xi32, #tpu.memory_space<vmem>>
    %dma_wait3A_277 = arith.constant 0 : i32
    %dma_wait3A_278 = arith.constant 0 : i32
    %dma_wait3A_279 = tpu.memref_slice %arg9[%dma_wait3A_277, %dma_wait3A_278] : memref<10240x128xf32, #tpu.memory_space<vmem_shared>> -> memref<10240x128xf32, #tpu.memory_space<vmem_shared>>
    tpu.wait_indirect_dma semaphore(%arg15 : memref<!tpu.dma_semaphore, #tpu.memory_space<semaphore_mem>>) src(%dma_wait3A_273 : memref<64x128xf32, #tpu.memory_space<vmem>>) dst(%dma_wait3A_279 : memref<10240x128xf32, #tpu.memory_space<vmem_shared>>)
    %rem3A_280 = arith.constant 157 : i32
    %rem3A_281 = arith.constant 4 : i32
    %rem3A_282 = arith.remsi %rem3A_280, %rem3A_281 : i32
    %rem3A_283 = arith.constant 157 : i32
    %rem3A_284 = arith.constant 5 : i32
    %rem3A_285 = arith.remsi %rem3A_283, %rem3A_284 : i32
    %dma_wait3A_286 = arith.constant 0 : i32
    %dma_wait3A_287 = arith.constant 0 : i32
    %dma_wait3A_288 = tpu.memref_slice %arg12[%rem3A_282, %dma_wait3A_286, %dma_wait3A_287] : memref<4x64x128xf32, #tpu.memory_space<vmem>> -> memref<1x64x128xf32, #tpu.memory_space<vmem>>
    %dma_wait3A_289 = tpu.memref_squeeze %dma_wait3A_288 : memref<1x64x128xf32, #tpu.memory_space<vmem>> -> memref<64x128xf32, #tpu.memory_space<vmem>>
    %dma_wait3A_290 = arith.constant 0 : i32
    %dma_wait3A_291 = tpu.memref_slice %arg10[%rem3A_285, %dma_wait3A_290] : memref<5x64xi32, #tpu.memory_space<vmem>> -> memref<1x64xi32, #tpu.memory_space<vmem>>
    %dma_wait3A_292 = tpu.memref_squeeze %dma_wait3A_291 : memref<1x64xi32, #tpu.memory_space<vmem>> -> memref<64xi32, #tpu.memory_space<vmem>>
    %dma_wait3A_293 = arith.constant 0 : i32
    %dma_wait3A_294 = arith.constant 0 : i32
    %dma_wait3A_295 = tpu.memref_slice %arg2[%dma_wait3A_293, %dma_wait3A_294] : memref<20000x128xf32, #tpu.memory_space<hbm>> -> memref<20000x128xf32, #tpu.memory_space<hbm>>
    tpu.wait_indirect_dma semaphore(%arg13 : memref<!tpu.dma_semaphore, #tpu.memory_space<semaphore_mem>>) src(%dma_wait3A_295 : memref<20000x128xf32, #tpu.memory_space<hbm>>) dst(%dma_wait3A_289 : memref<64x128xf32, #tpu.memory_space<vmem>>)
    %rem3A_296 = arith.constant 157 : i32
    %rem3A_297 = arith.constant 4 : i32
    %rem3A_298 = arith.remsi %rem3A_296, %rem3A_297 : i32
    %rem3A_299 = arith.constant 157 : i32
    %rem3A_300 = arith.constant 5 : i32
    %rem3A_301 = arith.remsi %rem3A_299, %rem3A_300 : i32
    %dma_start3A_302 = arith.constant 0 : i32
    %dma_start3A_303 = arith.constant 0 : i32
    %dma_start3A_304 = tpu.memref_slice %arg12[%rem3A_298, %dma_start3A_302, %dma_start3A_303] : memref<4x64x128xf32, #tpu.memory_space<vmem>> -> memref<1x64x128xf32, #tpu.memory_space<vmem>>
    %dma_start3A_305 = tpu.memref_squeeze %dma_start3A_304 : memref<1x64x128xf32, #tpu.memory_space<vmem>> -> memref<64x128xf32, #tpu.memory_space<vmem>>
    %dma_start3A_306 = arith.constant 0 : i32
    %dma_start3A_307 = tpu.memref_slice %arg11[%rem3A_301, %dma_start3A_306] : memref<5x64xi32, #tpu.memory_space<vmem>> -> memref<1x64xi32, #tpu.memory_space<vmem>>
    %dma_start3A_308 = tpu.memref_squeeze %dma_start3A_307 : memref<1x64xi32, #tpu.memory_space<vmem>> -> memref<64xi32, #tpu.memory_space<vmem>>
    %dma_start3A_309 = arith.constant 0 : i32
    %dma_start3A_310 = arith.constant 0 : i32
    %dma_start3A_311 = tpu.memref_slice %arg9[%dma_start3A_309, %dma_start3A_310] : memref<10240x128xf32, #tpu.memory_space<vmem_shared>> -> memref<10240x128xf32, #tpu.memory_space<vmem_shared>>
    tpu.enqueue_indirect_dma source(%dma_start3A_305 : memref<64x128xf32, #tpu.memory_space<vmem>>) target(%dma_start3A_311 : memref<10240x128xf32, #tpu.memory_space<vmem_shared>>) offsets(%dma_start3A_308 : memref<64xi32, #tpu.memory_space<vmem>>) semaphore(%arg15 : memref<!tpu.dma_semaphore, #tpu.memory_space<semaphore_mem>>) {add = true}
    %rem3A_312 = arith.constant 161 : i32
    %rem3A_313 = arith.constant 4 : i32
    %rem3A_314 = arith.remsi %rem3A_312, %rem3A_313 : i32
    %rem3A_315 = arith.constant 162 : i32
    %rem3A_316 = arith.constant 5 : i32
    %rem3A_317 = arith.remsi %rem3A_315, %rem3A_316 : i32
    %dma_wait3A_318 = arith.constant 0 : i32
    %dma_wait3A_319 = arith.constant 0 : i32
    %dma_wait3A_320 = tpu.memref_slice %arg12[%rem3A_314, %dma_wait3A_318, %dma_wait3A_319] : memref<4x64x128xf32, #tpu.memory_space<vmem>> -> memref<1x64x128xf32, #tpu.memory_space<vmem>>
    %dma_wait3A_321 = tpu.memref_squeeze %dma_wait3A_320 : memref<1x64x128xf32, #tpu.memory_space<vmem>> -> memref<64x128xf32, #tpu.memory_space<vmem>>
    %dma_wait3A_322 = arith.constant 0 : i32
    %dma_wait3A_323 = tpu.memref_slice %arg11[%rem3A_317, %dma_wait3A_322] : memref<5x64xi32, #tpu.memory_space<vmem>> -> memref<1x64xi32, #tpu.memory_space<vmem>>
    %dma_wait3A_324 = tpu.memref_squeeze %dma_wait3A_323 : memref<1x64xi32, #tpu.memory_space<vmem>> -> memref<64xi32, #tpu.memory_space<vmem>>
    %dma_wait3A_325 = arith.constant 0 : i32
    %dma_wait3A_326 = arith.constant 0 : i32
    %dma_wait3A_327 = tpu.memref_slice %arg9[%dma_wait3A_325, %dma_wait3A_326] : memref<10240x128xf32, #tpu.memory_space<vmem_shared>> -> memref<10240x128xf32, #tpu.memory_space<vmem_shared>>
    tpu.wait_indirect_dma semaphore(%arg15 : memref<!tpu.dma_semaphore, #tpu.memory_space<semaphore_mem>>) src(%dma_wait3A_321 : memref<64x128xf32, #tpu.memory_space<vmem>>) dst(%dma_wait3A_327 : memref<10240x128xf32, #tpu.memory_space<vmem_shared>>)
    %rem3A_328 = arith.constant 158 : i32
    %rem3A_329 = arith.constant 4 : i32
    %rem3A_330 = arith.remsi %rem3A_328, %rem3A_329 : i32
    %rem3A_331 = arith.constant 158 : i32
    %rem3A_332 = arith.constant 5 : i32
    %rem3A_333 = arith.remsi %rem3A_331, %rem3A_332 : i32
    %dma_wait3A_334 = arith.constant 0 : i32
    %dma_wait3A_335 = arith.constant 0 : i32
    %dma_wait3A_336 = tpu.memref_slice %arg12[%rem3A_330, %dma_wait3A_334, %dma_wait3A_335] : memref<4x64x128xf32, #tpu.memory_space<vmem>> -> memref<1x64x128xf32, #tpu.memory_space<vmem>>
    %dma_wait3A_337 = tpu.memref_squeeze %dma_wait3A_336 : memref<1x64x128xf32, #tpu.memory_space<vmem>> -> memref<64x128xf32, #tpu.memory_space<vmem>>
    %dma_wait3A_338 = arith.constant 0 : i32
    %dma_wait3A_339 = tpu.memref_slice %arg10[%rem3A_333, %dma_wait3A_338] : memref<5x64xi32, #tpu.memory_space<vmem>> -> memref<1x64xi32, #tpu.memory_space<vmem>>
    %dma_wait3A_340 = tpu.memref_squeeze %dma_wait3A_339 : memref<1x64xi32, #tpu.memory_space<vmem>> -> memref<64xi32, #tpu.memory_space<vmem>>
    %dma_wait3A_341 = arith.constant 0 : i32
    %dma_wait3A_342 = arith.constant 0 : i32
    %dma_wait3A_343 = tpu.memref_slice %arg2[%dma_wait3A_341, %dma_wait3A_342] : memref<20000x128xf32, #tpu.memory_space<hbm>> -> memref<20000x128xf32, #tpu.memory_space<hbm>>
    tpu.wait_indirect_dma semaphore(%arg13 : memref<!tpu.dma_semaphore, #tpu.memory_space<semaphore_mem>>) src(%dma_wait3A_343 : memref<20000x128xf32, #tpu.memory_space<hbm>>) dst(%dma_wait3A_337 : memref<64x128xf32, #tpu.memory_space<vmem>>)
    %rem3A_344 = arith.constant 158 : i32
    %rem3A_345 = arith.constant 4 : i32
    %rem3A_346 = arith.remsi %rem3A_344, %rem3A_345 : i32
    %rem3A_347 = arith.constant 158 : i32
    %rem3A_348 = arith.constant 5 : i32
    %rem3A_349 = arith.remsi %rem3A_347, %rem3A_348 : i32
    %dma_start3A_350 = arith.constant 0 : i32
    %dma_start3A_351 = arith.constant 0 : i32
    %dma_start3A_352 = tpu.memref_slice %arg12[%rem3A_346, %dma_start3A_350, %dma_start3A_351] : memref<4x64x128xf32, #tpu.memory_space<vmem>> -> memref<1x64x128xf32, #tpu.memory_space<vmem>>
    %dma_start3A_353 = tpu.memref_squeeze %dma_start3A_352 : memref<1x64x128xf32, #tpu.memory_space<vmem>> -> memref<64x128xf32, #tpu.memory_space<vmem>>
    %dma_start3A_354 = arith.constant 0 : i32
    %dma_start3A_355 = tpu.memref_slice %arg11[%rem3A_349, %dma_start3A_354] : memref<5x64xi32, #tpu.memory_space<vmem>> -> memref<1x64xi32, #tpu.memory_space<vmem>>
    %dma_start3A_356 = tpu.memref_squeeze %dma_start3A_355 : memref<1x64xi32, #tpu.memory_space<vmem>> -> memref<64xi32, #tpu.memory_space<vmem>>
    %dma_start3A_357 = arith.constant 0 : i32
    %dma_start3A_358 = arith.constant 0 : i32
    %dma_start3A_359 = tpu.memref_slice %arg9[%dma_start3A_357, %dma_start3A_358] : memref<10240x128xf32, #tpu.memory_space<vmem_shared>> -> memref<10240x128xf32, #tpu.memory_space<vmem_shared>>
    tpu.enqueue_indirect_dma source(%dma_start3A_353 : memref<64x128xf32, #tpu.memory_space<vmem>>) target(%dma_start3A_359 : memref<10240x128xf32, #tpu.memory_space<vmem_shared>>) offsets(%dma_start3A_356 : memref<64xi32, #tpu.memory_space<vmem>>) semaphore(%arg15 : memref<!tpu.dma_semaphore, #tpu.memory_space<semaphore_mem>>) {add = true}
    %rem3A_360 = arith.constant 162 : i32
    %rem3A_361 = arith.constant 4 : i32
    %rem3A_362 = arith.remsi %rem3A_360, %rem3A_361 : i32
    %rem3A_363 = arith.constant 163 : i32
    %rem3A_364 = arith.constant 5 : i32
    %rem3A_365 = arith.remsi %rem3A_363, %rem3A_364 : i32
    %dma_wait3A_366 = arith.constant 0 : i32
    %dma_wait3A_367 = arith.constant 0 : i32
    %dma_wait3A_368 = tpu.memref_slice %arg12[%rem3A_362, %dma_wait3A_366, %dma_wait3A_367] : memref<4x64x128xf32, #tpu.memory_space<vmem>> -> memref<1x64x128xf32, #tpu.memory_space<vmem>>
    %dma_wait3A_369 = tpu.memref_squeeze %dma_wait3A_368 : memref<1x64x128xf32, #tpu.memory_space<vmem>> -> memref<64x128xf32, #tpu.memory_space<vmem>>
    %dma_wait3A_370 = arith.constant 0 : i32
    %dma_wait3A_371 = tpu.memref_slice %arg11[%rem3A_365, %dma_wait3A_370] : memref<5x64xi32, #tpu.memory_space<vmem>> -> memref<1x64xi32, #tpu.memory_space<vmem>>
    %dma_wait3A_372 = tpu.memref_squeeze %dma_wait3A_371 : memref<1x64xi32, #tpu.memory_space<vmem>> -> memref<64xi32, #tpu.memory_space<vmem>>
    %dma_wait3A_373 = arith.constant 0 : i32
    %dma_wait3A_374 = arith.constant 0 : i32
    %dma_wait3A_375 = tpu.memref_slice %arg9[%dma_wait3A_373, %dma_wait3A_374] : memref<10240x128xf32, #tpu.memory_space<vmem_shared>> -> memref<10240x128xf32, #tpu.memory_space<vmem_shared>>
    tpu.wait_indirect_dma semaphore(%arg15 : memref<!tpu.dma_semaphore, #tpu.memory_space<semaphore_mem>>) src(%dma_wait3A_369 : memref<64x128xf32, #tpu.memory_space<vmem>>) dst(%dma_wait3A_375 : memref<10240x128xf32, #tpu.memory_space<vmem_shared>>)
    %rem3A_376 = arith.constant 159 : i32
    %rem3A_377 = arith.constant 4 : i32
    %rem3A_378 = arith.remsi %rem3A_376, %rem3A_377 : i32
    %rem3A_379 = arith.constant 159 : i32
    %rem3A_380 = arith.constant 5 : i32
    %rem3A_381 = arith.remsi %rem3A_379, %rem3A_380 : i32
    %dma_wait3A_382 = arith.constant 0 : i32
    %dma_wait3A_383 = arith.constant 0 : i32
    %dma_wait3A_384 = tpu.memref_slice %arg12[%rem3A_378, %dma_wait3A_382, %dma_wait3A_383] : memref<4x64x128xf32, #tpu.memory_space<vmem>> -> memref<1x64x128xf32, #tpu.memory_space<vmem>>
    %dma_wait3A_385 = tpu.memref_squeeze %dma_wait3A_384 : memref<1x64x128xf32, #tpu.memory_space<vmem>> -> memref<64x128xf32, #tpu.memory_space<vmem>>
    %dma_wait3A_386 = arith.constant 0 : i32
    %dma_wait3A_387 = tpu.memref_slice %arg10[%rem3A_381, %dma_wait3A_386] : memref<5x64xi32, #tpu.memory_space<vmem>> -> memref<1x64xi32, #tpu.memory_space<vmem>>
    %dma_wait3A_388 = tpu.memref_squeeze %dma_wait3A_387 : memref<1x64xi32, #tpu.memory_space<vmem>> -> memref<64xi32, #tpu.memory_space<vmem>>
    %dma_wait3A_389 = arith.constant 0 : i32
    %dma_wait3A_390 = arith.constant 0 : i32
    %dma_wait3A_391 = tpu.memref_slice %arg2[%dma_wait3A_389, %dma_wait3A_390] : memref<20000x128xf32, #tpu.memory_space<hbm>> -> memref<20000x128xf32, #tpu.memory_space<hbm>>
    tpu.wait_indirect_dma semaphore(%arg13 : memref<!tpu.dma_semaphore, #tpu.memory_space<semaphore_mem>>) src(%dma_wait3A_391 : memref<20000x128xf32, #tpu.memory_space<hbm>>) dst(%dma_wait3A_385 : memref<64x128xf32, #tpu.memory_space<vmem>>)
    %rem3A_392 = arith.constant 159 : i32
    %rem3A_393 = arith.constant 4 : i32
    %rem3A_394 = arith.remsi %rem3A_392, %rem3A_393 : i32
    %rem3A_395 = arith.constant 159 : i32
    %rem3A_396 = arith.constant 5 : i32
    %rem3A_397 = arith.remsi %rem3A_395, %rem3A_396 : i32
    %dma_start3A_398 = arith.constant 0 : i32
    %dma_start3A_399 = arith.constant 0 : i32
    %dma_start3A_400 = tpu.memref_slice %arg12[%rem3A_394, %dma_start3A_398, %dma_start3A_399] : memref<4x64x128xf32, #tpu.memory_space<vmem>> -> memref<1x64x128xf32, #tpu.memory_space<vmem>>
    %dma_start3A_401 = tpu.memref_squeeze %dma_start3A_400 : memref<1x64x128xf32, #tpu.memory_space<vmem>> -> memref<64x128xf32, #tpu.memory_space<vmem>>
    %dma_start3A_402 = arith.constant 0 : i32
    %dma_start3A_403 = tpu.memref_slice %arg11[%rem3A_397, %dma_start3A_402] : memref<5x64xi32, #tpu.memory_space<vmem>> -> memref<1x64xi32, #tpu.memory_space<vmem>>
    %dma_start3A_404 = tpu.memref_squeeze %dma_start3A_403 : memref<1x64xi32, #tpu.memory_space<vmem>> -> memref<64xi32, #tpu.memory_space<vmem>>
    %dma_start3A_405 = arith.constant 0 : i32
    %dma_start3A_406 = arith.constant 0 : i32
    %dma_start3A_407 = tpu.memref_slice %arg9[%dma_start3A_405, %dma_start3A_406] : memref<10240x128xf32, #tpu.memory_space<vmem_shared>> -> memref<10240x128xf32, #tpu.memory_space<vmem_shared>>
    tpu.enqueue_indirect_dma source(%dma_start3A_401 : memref<64x128xf32, #tpu.memory_space<vmem>>) target(%dma_start3A_407 : memref<10240x128xf32, #tpu.memory_space<vmem_shared>>) offsets(%dma_start3A_404 : memref<64xi32, #tpu.memory_space<vmem>>) semaphore(%arg15 : memref<!tpu.dma_semaphore, #tpu.memory_space<semaphore_mem>>) {add = true}
    %dma_wait3A_408 = arith.constant 3 : i32
    %dma_wait3A_409 = arith.constant 4 : i32
    %dma_wait3A_410 = arith.constant 0 : i32
    %dma_wait3A_411 = arith.constant 0 : i32
    %dma_wait3A_412 = tpu.memref_slice %arg12[%dma_wait3A_408, %dma_wait3A_410, %dma_wait3A_411] : memref<4x64x128xf32, #tpu.memory_space<vmem>> -> memref<1x64x128xf32, #tpu.memory_space<vmem>>
    %dma_wait3A_413 = tpu.memref_squeeze %dma_wait3A_412 : memref<1x64x128xf32, #tpu.memory_space<vmem>> -> memref<64x128xf32, #tpu.memory_space<vmem>>
    %dma_wait3A_414 = arith.constant 0 : i32
    %dma_wait3A_415 = tpu.memref_slice %arg11[%dma_wait3A_409, %dma_wait3A_414] : memref<5x64xi32, #tpu.memory_space<vmem>> -> memref<1x64xi32, #tpu.memory_space<vmem>>
    %dma_wait3A_416 = tpu.memref_squeeze %dma_wait3A_415 : memref<1x64xi32, #tpu.memory_space<vmem>> -> memref<64xi32, #tpu.memory_space<vmem>>
    %dma_wait3A_417 = arith.constant 0 : i32
    %dma_wait3A_418 = arith.constant 0 : i32
    %dma_wait3A_419 = tpu.memref_slice %arg9[%dma_wait3A_417, %dma_wait3A_418] : memref<10240x128xf32, #tpu.memory_space<vmem_shared>> -> memref<10240x128xf32, #tpu.memory_space<vmem_shared>>
    tpu.wait_indirect_dma semaphore(%arg15 : memref<!tpu.dma_semaphore, #tpu.memory_space<semaphore_mem>>) src(%dma_wait3A_413 : memref<64x128xf32, #tpu.memory_space<vmem>>) dst(%dma_wait3A_419 : memref<10240x128xf32, #tpu.memory_space<vmem_shared>>)
    %barrier3A_420 = arith.constant 0 : index
    tpu.barrier barrier_id(%barrier3A_420)
    %mul3A_421 = arith.constant 640 : i32
    %mul3A_422 = arith.muli %arg1, %mul3A_421 : i32
    %mul3A_423 = arith.constant 640 : i32
    %mul3A_424 = arith.muli %arg1, %mul3A_423 : i32
    "tpu.region"() ({
      %run_scoped3A_629 = tpu.sem_alloc : memref<!tpu.dma_semaphore, #tpu.memory_space<semaphore_mem>>
      %dma_start3A_630 = arith.constant 0 : i32
      %dma_start3A_631 = tpu.memref_slice %arg7[%arg0, %mul3A_424, %dma_start3A_630] : memref<2x10240x128xf32, #tpu.memory_space<hbm>> -> memref<1x640x128xf32, #tpu.memory_space<hbm>>
      %dma_start3A_632 = tpu.memref_squeeze %dma_start3A_631 : memref<1x640x128xf32, #tpu.memory_space<hbm>> -> memref<640x128xf32, #tpu.memory_space<hbm>>
      %dma_start3A_633 = arith.constant 0 : i32
      %dma_start3A_634 = tpu.memref_slice %arg9[%mul3A_422, %dma_start3A_633] : memref<10240x128xf32, #tpu.memory_space<vmem_shared>> -> memref<640x128xf32, #tpu.memory_space<vmem_shared>>
      tpu.enqueue_dma source(%dma_start3A_634 : memref<640x128xf32, #tpu.memory_space<vmem_shared>>) target(%dma_start3A_632 : memref<640x128xf32, #tpu.memory_space<hbm>>) target_semaphore(%run_scoped3A_629 : memref<!tpu.dma_semaphore, #tpu.memory_space<semaphore_mem>>)
      %dma_wait3A_635 = arith.constant 0 : i32
      %dma_wait3A_636 = tpu.memref_slice %arg7[%arg0, %mul3A_424, %dma_wait3A_635] : memref<2x10240x128xf32, #tpu.memory_space<hbm>> -> memref<1x640x128xf32, #tpu.memory_space<hbm>>
      %dma_wait3A_637 = tpu.memref_squeeze %dma_wait3A_636 : memref<1x640x128xf32, #tpu.memory_space<hbm>> -> memref<640x128xf32, #tpu.memory_space<hbm>>
      %dma_wait3A_638 = arith.constant 0 : i32
      %dma_wait3A_639 = tpu.memref_slice %arg9[%mul3A_422, %dma_wait3A_638] : memref<10240x128xf32, #tpu.memory_space<vmem_shared>> -> memref<640x128xf32, #tpu.memory_space<vmem_shared>>
      tpu.wait_dma2 semaphore(%run_scoped3A_629 : memref<!tpu.dma_semaphore, #tpu.memory_space<semaphore_mem>>) src(%dma_wait3A_639 : memref<640x128xf32, #tpu.memory_space<vmem_shared>>) dst(%dma_wait3A_637 : memref<640x128xf32, #tpu.memory_space<hbm>>)
      tpu.yield
    }) : () -> ()
    %mul3A_425 = arith.constant 640 : i32
    %mul3A_426 = arith.muli %arg1, %mul3A_425 : i32
    "tpu.region"() ({
      %run_scoped3A_629 = tpu.sem_alloc : memref<!tpu.dma_semaphore, #tpu.memory_space<semaphore_mem>>
      %dma_start3A_630 = arith.constant 0 : i32
      %dma_start3A_631 = tpu.memref_slice %arg9[%mul3A_426, %dma_start3A_630] : memref<10240x128xf32, #tpu.memory_space<vmem_shared>> -> memref<640x128xf32, #tpu.memory_space<vmem_shared>>
      tpu.enqueue_dma source(%arg5 : memref<640x128xf32, #tpu.memory_space<hbm>>) target(%dma_start3A_631 : memref<640x128xf32, #tpu.memory_space<vmem_shared>>) target_semaphore(%run_scoped3A_629 : memref<!tpu.dma_semaphore, #tpu.memory_space<semaphore_mem>>)
      %dma_wait3A_632 = arith.constant 0 : i32
      %dma_wait3A_633 = tpu.memref_slice %arg9[%mul3A_426, %dma_wait3A_632] : memref<10240x128xf32, #tpu.memory_space<vmem_shared>> -> memref<640x128xf32, #tpu.memory_space<vmem_shared>>
      tpu.wait_dma2 semaphore(%run_scoped3A_629 : memref<!tpu.dma_semaphore, #tpu.memory_space<semaphore_mem>>) src(%arg5 : memref<640x128xf32, #tpu.memory_space<hbm>>) dst(%dma_wait3A_633 : memref<640x128xf32, #tpu.memory_space<vmem_shared>>)
      tpu.yield
    }) : () -> ()
    %run_scoped3A_427 = arith.constant 0 : i32
    "tpu.region"() ({
      %run_scoped3A_629 = tpu.sem_alloc : memref<!tpu.dma_semaphore, #tpu.memory_space<semaphore_mem>>
      %dma_start3A_630 = arith.constant 0 : i32
      %dma_start3A_631 = arith.constant 0 : i32
      %dma_start3A_632 = tpu.memref_slice %arg12[%run_scoped3A_427, %dma_start3A_630, %dma_start3A_631] : memref<4x64x128xf32, #tpu.memory_space<vmem>> -> memref<1x64x128xf32, #tpu.memory_space<vmem>>
      %dma_start3A_633 = tpu.memref_squeeze %dma_start3A_632 : memref<1x64x128xf32, #tpu.memory_space<vmem>> -> memref<64x128xf32, #tpu.memory_space<vmem>>
      %dma_start3A_634 = arith.constant 0 : i32
      %dma_start3A_635 = arith.constant 0 : i32
      %dma_start3A_636 = tpu.memref_slice %arg12[%run_scoped3A_427, %dma_start3A_634, %dma_start3A_635] : memref<4x64x128xf32, #tpu.memory_space<vmem>> -> memref<1x64x128xf32, #tpu.memory_space<vmem>>
      %dma_start3A_637 = tpu.memref_squeeze %dma_start3A_636 : memref<1x64x128xf32, #tpu.memory_space<vmem>> -> memref<64x128xf32, #tpu.memory_space<vmem>>
      tpu.enqueue_dma source(%arg6 : memref<64x128xf32, #tpu.memory_space<hbm>>) target(%dma_start3A_637 : memref<64x128xf32, #tpu.memory_space<vmem>>) target_semaphore(%run_scoped3A_629 : memref<!tpu.dma_semaphore, #tpu.memory_space<semaphore_mem>>)
      %dma_wait3A_638 = arith.constant 0 : i32
      %dma_wait3A_639 = arith.constant 0 : i32
      %dma_wait3A_640 = tpu.memref_slice %arg12[%run_scoped3A_427, %dma_wait3A_638, %dma_wait3A_639] : memref<4x64x128xf32, #tpu.memory_space<vmem>> -> memref<1x64x128xf32, #tpu.memory_space<vmem>>
      %dma_wait3A_641 = tpu.memref_squeeze %dma_wait3A_640 : memref<1x64x128xf32, #tpu.memory_space<vmem>> -> memref<64x128xf32, #tpu.memory_space<vmem>>
      %dma_wait3A_642 = arith.constant 0 : i32
      %dma_wait3A_643 = arith.constant 0 : i32
      %dma_wait3A_644 = tpu.memref_slice %arg12[%run_scoped3A_427, %dma_wait3A_642, %dma_wait3A_643] : memref<4x64x128xf32, #tpu.memory_space<vmem>> -> memref<1x64x128xf32, #tpu.memory_space<vmem>>
      %dma_wait3A_645 = tpu.memref_squeeze %dma_wait3A_644 : memref<1x64x128xf32, #tpu.memory_space<vmem>> -> memref<64x128xf32, #tpu.memory_space<vmem>>
      tpu.wait_dma2 semaphore(%run_scoped3A_629 : memref<!tpu.dma_semaphore, #tpu.memory_space<semaphore_mem>>) src(%arg6 : memref<64x128xf32, #tpu.memory_space<hbm>>) dst(%dma_wait3A_645 : memref<64x128xf32, #tpu.memory_space<vmem>>)
      tpu.yield
    }) : () -> ()
    %barrier3A_428 = arith.constant 0 : index
    tpu.barrier barrier_id(%barrier3A_428)
    %mul3A_429 = arith.constant 16 : i32
    %mul3A_430 = arith.muli %arg0, %mul3A_429 : i32
    %add3A_431 = arith.addi %mul3A_430, %arg1 : i32
    %mul3A_432 = arith.constant 5120 : i32
    %mul3A_433 = arith.muli %add3A_431, %mul3A_432 : i32
    %run_scoped3A_434 = arith.constant 0 : i32
    "tpu.region"() ({
      %run_scoped3A_629 = tpu.sem_alloc : memref<!tpu.dma_semaphore, #tpu.memory_space<semaphore_mem>>
      %dma_start3A_630 = arith.constant 0 : i32
      %dma_start3A_631 = tpu.memref_slice %arg11[%run_scoped3A_434, %dma_start3A_630] : memref<5x64xi32, #tpu.memory_space<vmem>> -> memref<1x64xi32, #tpu.memory_space<vmem>>
      %dma_start3A_632 = tpu.memref_squeeze %dma_start3A_631 : memref<1x64xi32, #tpu.memory_space<vmem>> -> memref<64xi32, #tpu.memory_space<vmem>>
      %dma_start3A_633 = tpu.memref_slice %arg4[%mul3A_433] : memref<163840xi32, #tpu.memory_space<hbm>> -> memref<64xi32, #tpu.memory_space<hbm>>
      %dma_start3A_634 = arith.constant 0 : i32
      %dma_start3A_635 = tpu.memref_slice %arg11[%run_scoped3A_434, %dma_start3A_634] : memref<5x64xi32, #tpu.memory_space<vmem>> -> memref<1x64xi32, #tpu.memory_space<vmem>>
      %dma_start3A_636 = tpu.memref_squeeze %dma_start3A_635 : memref<1x64xi32, #tpu.memory_space<vmem>> -> memref<64xi32, #tpu.memory_space<vmem>>
      %dma_start3A_637 = tpu.memref_slice %arg4[%mul3A_433] : memref<163840xi32, #tpu.memory_space<hbm>> -> memref<64xi32, #tpu.memory_space<hbm>>
      tpu.enqueue_dma source(%dma_start3A_637 : memref<64xi32, #tpu.memory_space<hbm>>) target(%dma_start3A_636 : memref<64xi32, #tpu.memory_space<vmem>>) target_semaphore(%run_scoped3A_629 : memref<!tpu.dma_semaphore, #tpu.memory_space<semaphore_mem>>)
      %dma_wait3A_638 = arith.constant 0 : i32
      %dma_wait3A_639 = tpu.memref_slice %arg11[%run_scoped3A_434, %dma_wait3A_638] : memref<5x64xi32, #tpu.memory_space<vmem>> -> memref<1x64xi32, #tpu.memory_space<vmem>>
      %dma_wait3A_640 = tpu.memref_squeeze %dma_wait3A_639 : memref<1x64xi32, #tpu.memory_space<vmem>> -> memref<64xi32, #tpu.memory_space<vmem>>
      %dma_wait3A_641 = tpu.memref_slice %arg4[%mul3A_433] : memref<163840xi32, #tpu.memory_space<hbm>> -> memref<64xi32, #tpu.memory_space<hbm>>
      %dma_wait3A_642 = arith.constant 0 : i32
      %dma_wait3A_643 = tpu.memref_slice %arg11[%run_scoped3A_434, %dma_wait3A_642] : memref<5x64xi32, #tpu.memory_space<vmem>> -> memref<1x64xi32, #tpu.memory_space<vmem>>
      %dma_wait3A_644 = tpu.memref_squeeze %dma_wait3A_643 : memref<1x64xi32, #tpu.memory_space<vmem>> -> memref<64xi32, #tpu.memory_space<vmem>>
      %dma_wait3A_645 = tpu.memref_slice %arg4[%mul3A_433] : memref<163840xi32, #tpu.memory_space<hbm>> -> memref<64xi32, #tpu.memory_space<hbm>>
      tpu.wait_dma2 semaphore(%run_scoped3A_629 : memref<!tpu.dma_semaphore, #tpu.memory_space<semaphore_mem>>) src(%dma_wait3A_645 : memref<64xi32, #tpu.memory_space<hbm>>) dst(%dma_wait3A_644 : memref<64xi32, #tpu.memory_space<vmem>>)
      tpu.yield
    }) : () -> ()
    %add3A_435 = arith.constant 64 : i32
    %add3A_436 = arith.addi %mul3A_433, %add3A_435 : i32
    %dma_start3A_437 = arith.constant 1 : i32
    %dma_start3A_438 = arith.constant 0 : i32
    %dma_start3A_439 = tpu.memref_slice %arg11[%dma_start3A_437, %dma_start3A_438] : memref<5x64xi32, #tpu.memory_space<vmem>> -> memref<1x64xi32, #tpu.memory_space<vmem>>
    %dma_start3A_440 = tpu.memref_squeeze %dma_start3A_439 : memref<1x64xi32, #tpu.memory_space<vmem>> -> memref<64xi32, #tpu.memory_space<vmem>>
    %dma_start3A_441 = tpu.memref_slice %arg4[%add3A_436] : memref<163840xi32, #tpu.memory_space<hbm>> -> memref<64xi32, #tpu.memory_space<hbm>>
    %dma_start3A_442 = arith.constant 0 : i32
    %dma_start3A_443 = tpu.memref_slice %arg11[%dma_start3A_437, %dma_start3A_442] : memref<5x64xi32, #tpu.memory_space<vmem>> -> memref<1x64xi32, #tpu.memory_space<vmem>>
    %dma_start3A_444 = tpu.memref_squeeze %dma_start3A_443 : memref<1x64xi32, #tpu.memory_space<vmem>> -> memref<64xi32, #tpu.memory_space<vmem>>
    %dma_start3A_445 = tpu.memref_slice %arg4[%add3A_436] : memref<163840xi32, #tpu.memory_space<hbm>> -> memref<64xi32, #tpu.memory_space<hbm>>
    tpu.enqueue_dma source(%dma_start3A_445 : memref<64xi32, #tpu.memory_space<hbm>>) target(%dma_start3A_444 : memref<64xi32, #tpu.memory_space<vmem>>) target_semaphore(%arg14 : memref<!tpu.dma_semaphore, #tpu.memory_space<semaphore_mem>>)
    %rem3A_446 = arith.constant 1 : i32
    %rem3A_447 = arith.constant 4 : i32
    %rem3A_448 = arith.remsi %rem3A_446, %rem3A_447 : i32
    %add3A_449 = arith.constant 64 : i32
    %add3A_450 = arith.addi %mul3A_433, %add3A_449 : i32
    %dma_wait3A_451 = arith.constant 0 : i32
    %dma_wait3A_452 = tpu.memref_slice %arg11[%rem3A_448, %dma_wait3A_451] : memref<5x64xi32, #tpu.memory_space<vmem>> -> memref<1x64xi32, #tpu.memory_space<vmem>>
    %dma_wait3A_453 = tpu.memref_squeeze %dma_wait3A_452 : memref<1x64xi32, #tpu.memory_space<vmem>> -> memref<64xi32, #tpu.memory_space<vmem>>
    %dma_wait3A_454 = tpu.memref_slice %arg4[%add3A_450] : memref<163840xi32, #tpu.memory_space<hbm>> -> memref<64xi32, #tpu.memory_space<hbm>>
    %dma_wait3A_455 = arith.constant 0 : i32
    %dma_wait3A_456 = tpu.memref_slice %arg11[%rem3A_448, %dma_wait3A_455] : memref<5x64xi32, #tpu.memory_space<vmem>> -> memref<1x64xi32, #tpu.memory_space<vmem>>
    %dma_wait3A_457 = tpu.memref_squeeze %dma_wait3A_456 : memref<1x64xi32, #tpu.memory_space<vmem>> -> memref<64xi32, #tpu.memory_space<vmem>>
    %dma_wait3A_458 = tpu.memref_slice %arg4[%add3A_450] : memref<163840xi32, #tpu.memory_space<hbm>> -> memref<64xi32, #tpu.memory_space<hbm>>
    tpu.wait_dma2 semaphore(%arg14 : memref<!tpu.dma_semaphore, #tpu.memory_space<semaphore_mem>>) src(%dma_wait3A_458 : memref<64xi32, #tpu.memory_space<hbm>>) dst(%dma_wait3A_457 : memref<64xi32, #tpu.memory_space<vmem>>)
    %rem3A_459 = arith.constant 0 : i32
    %rem3A_460 = arith.constant 4 : i32
    %rem3A_461 = arith.remsi %rem3A_459, %rem3A_460 : i32
    %dma_start3A_462 = arith.constant 0 : i32
    %dma_start3A_463 = arith.constant 0 : i32
    %dma_start3A_464 = arith.constant 0 : i32
    %dma_start3A_465 = tpu.memref_slice %arg12[%dma_start3A_462, %dma_start3A_463, %dma_start3A_464] : memref<4x64x128xf32, #tpu.memory_space<vmem>> -> memref<1x64x128xf32, #tpu.memory_space<vmem>>
    %dma_start3A_466 = tpu.memref_squeeze %dma_start3A_465 : memref<1x64x128xf32, #tpu.memory_space<vmem>> -> memref<64x128xf32, #tpu.memory_space<vmem>>
    %dma_start3A_467 = arith.constant 0 : i32
    %dma_start3A_468 = tpu.memref_slice %arg11[%rem3A_461, %dma_start3A_467] : memref<5x64xi32, #tpu.memory_space<vmem>> -> memref<1x64xi32, #tpu.memory_space<vmem>>
    %dma_start3A_469 = tpu.memref_squeeze %dma_start3A_468 : memref<1x64xi32, #tpu.memory_space<vmem>> -> memref<64xi32, #tpu.memory_space<vmem>>
    %dma_start3A_470 = arith.constant 0 : i32
    %dma_start3A_471 = arith.constant 0 : i32
    %dma_start3A_472 = tpu.memref_slice %arg9[%dma_start3A_470, %dma_start3A_471] : memref<10240x128xf32, #tpu.memory_space<vmem_shared>> -> memref<10240x128xf32, #tpu.memory_space<vmem_shared>>
    tpu.enqueue_indirect_dma source(%dma_start3A_466 : memref<64x128xf32, #tpu.memory_space<vmem>>) target(%dma_start3A_472 : memref<10240x128xf32, #tpu.memory_space<vmem_shared>>) offsets(%dma_start3A_469 : memref<64xi32, #tpu.memory_space<vmem>>) semaphore(%arg15 : memref<!tpu.dma_semaphore, #tpu.memory_space<semaphore_mem>>) {add = true}
    %rem3A_473 = arith.constant 2 : i32
    %rem3A_474 = arith.constant 4 : i32
    %rem3A_475 = arith.remsi %rem3A_473, %rem3A_474 : i32
    %add3A_476 = arith.constant 128 : i32
    %add3A_477 = arith.addi %mul3A_433, %add3A_476 : i32
    %dma_start3A_478 = arith.constant 0 : i32
    %dma_start3A_479 = tpu.memref_slice %arg11[%rem3A_475, %dma_start3A_478] : memref<5x64xi32, #tpu.memory_space<vmem>> -> memref<1x64xi32, #tpu.memory_space<vmem>>
    %dma_start3A_480 = tpu.memref_squeeze %dma_start3A_479 : memref<1x64xi32, #tpu.memory_space<vmem>> -> memref<64xi32, #tpu.memory_space<vmem>>
    %dma_start3A_481 = tpu.memref_slice %arg4[%add3A_477] : memref<163840xi32, #tpu.memory_space<hbm>> -> memref<64xi32, #tpu.memory_space<hbm>>
    %dma_start3A_482 = arith.constant 0 : i32
    %dma_start3A_483 = tpu.memref_slice %arg11[%rem3A_475, %dma_start3A_482] : memref<5x64xi32, #tpu.memory_space<vmem>> -> memref<1x64xi32, #tpu.memory_space<vmem>>
    %dma_start3A_484 = tpu.memref_squeeze %dma_start3A_483 : memref<1x64xi32, #tpu.memory_space<vmem>> -> memref<64xi32, #tpu.memory_space<vmem>>
    %dma_start3A_485 = tpu.memref_slice %arg4[%add3A_477] : memref<163840xi32, #tpu.memory_space<hbm>> -> memref<64xi32, #tpu.memory_space<hbm>>
    tpu.enqueue_dma source(%dma_start3A_485 : memref<64xi32, #tpu.memory_space<hbm>>) target(%dma_start3A_484 : memref<64xi32, #tpu.memory_space<vmem>>) target_semaphore(%arg14 : memref<!tpu.dma_semaphore, #tpu.memory_space<semaphore_mem>>)
    %rem3A_486 = arith.constant 2 : i32
    %rem3A_487 = arith.constant 4 : i32
    %rem3A_488 = arith.remsi %rem3A_486, %rem3A_487 : i32
    %add3A_489 = arith.constant 128 : i32
    %add3A_490 = arith.addi %mul3A_433, %add3A_489 : i32
    %dma_wait3A_491 = arith.constant 0 : i32
    %dma_wait3A_492 = tpu.memref_slice %arg11[%rem3A_488, %dma_wait3A_491] : memref<5x64xi32, #tpu.memory_space<vmem>> -> memref<1x64xi32, #tpu.memory_space<vmem>>
    %dma_wait3A_493 = tpu.memref_squeeze %dma_wait3A_492 : memref<1x64xi32, #tpu.memory_space<vmem>> -> memref<64xi32, #tpu.memory_space<vmem>>
    %dma_wait3A_494 = tpu.memref_slice %arg4[%add3A_490] : memref<163840xi32, #tpu.memory_space<hbm>> -> memref<64xi32, #tpu.memory_space<hbm>>
    %dma_wait3A_495 = arith.constant 0 : i32
    %dma_wait3A_496 = tpu.memref_slice %arg11[%rem3A_488, %dma_wait3A_495] : memref<5x64xi32, #tpu.memory_space<vmem>> -> memref<1x64xi32, #tpu.memory_space<vmem>>
    %dma_wait3A_497 = tpu.memref_squeeze %dma_wait3A_496 : memref<1x64xi32, #tpu.memory_space<vmem>> -> memref<64xi32, #tpu.memory_space<vmem>>
    %dma_wait3A_498 = tpu.memref_slice %arg4[%add3A_490] : memref<163840xi32, #tpu.memory_space<hbm>> -> memref<64xi32, #tpu.memory_space<hbm>>
    tpu.wait_dma2 semaphore(%arg14 : memref<!tpu.dma_semaphore, #tpu.memory_space<semaphore_mem>>) src(%dma_wait3A_498 : memref<64xi32, #tpu.memory_space<hbm>>) dst(%dma_wait3A_497 : memref<64xi32, #tpu.memory_space<vmem>>)
    %rem3A_499 = arith.constant 1 : i32
    %rem3A_500 = arith.constant 4 : i32
    %rem3A_501 = arith.remsi %rem3A_499, %rem3A_500 : i32
    %dma_start3A_502 = arith.constant 0 : i32
    %dma_start3A_503 = arith.constant 0 : i32
    %dma_start3A_504 = arith.constant 0 : i32
    %dma_start3A_505 = tpu.memref_slice %arg12[%dma_start3A_502, %dma_start3A_503, %dma_start3A_504] : memref<4x64x128xf32, #tpu.memory_space<vmem>> -> memref<1x64x128xf32, #tpu.memory_space<vmem>>
    %dma_start3A_506 = tpu.memref_squeeze %dma_start3A_505 : memref<1x64x128xf32, #tpu.memory_space<vmem>> -> memref<64x128xf32, #tpu.memory_space<vmem>>
    %dma_start3A_507 = arith.constant 0 : i32
    %dma_start3A_508 = tpu.memref_slice %arg11[%rem3A_501, %dma_start3A_507] : memref<5x64xi32, #tpu.memory_space<vmem>> -> memref<1x64xi32, #tpu.memory_space<vmem>>
    %dma_start3A_509 = tpu.memref_squeeze %dma_start3A_508 : memref<1x64xi32, #tpu.memory_space<vmem>> -> memref<64xi32, #tpu.memory_space<vmem>>
    %dma_start3A_510 = arith.constant 0 : i32
    %dma_start3A_511 = arith.constant 0 : i32
    %dma_start3A_512 = tpu.memref_slice %arg9[%dma_start3A_510, %dma_start3A_511] : memref<10240x128xf32, #tpu.memory_space<vmem_shared>> -> memref<10240x128xf32, #tpu.memory_space<vmem_shared>>
    tpu.enqueue_indirect_dma source(%dma_start3A_506 : memref<64x128xf32, #tpu.memory_space<vmem>>) target(%dma_start3A_512 : memref<10240x128xf32, #tpu.memory_space<vmem_shared>>) offsets(%dma_start3A_509 : memref<64xi32, #tpu.memory_space<vmem>>) semaphore(%arg15 : memref<!tpu.dma_semaphore, #tpu.memory_space<semaphore_mem>>) {add = true}
    %rem3A_513 = arith.constant 3 : i32
    %rem3A_514 = arith.constant 4 : i32
    %rem3A_515 = arith.remsi %rem3A_513, %rem3A_514 : i32
    %add3A_516 = arith.constant 192 : i32
    %add3A_517 = arith.addi %mul3A_433, %add3A_516 : i32
    %dma_start3A_518 = arith.constant 0 : i32
    %dma_start3A_519 = tpu.memref_slice %arg11[%rem3A_515, %dma_start3A_518] : memref<5x64xi32, #tpu.memory_space<vmem>> -> memref<1x64xi32, #tpu.memory_space<vmem>>
    %dma_start3A_520 = tpu.memref_squeeze %dma_start3A_519 : memref<1x64xi32, #tpu.memory_space<vmem>> -> memref<64xi32, #tpu.memory_space<vmem>>
    %dma_start3A_521 = tpu.memref_slice %arg4[%add3A_517] : memref<163840xi32, #tpu.memory_space<hbm>> -> memref<64xi32, #tpu.memory_space<hbm>>
    %dma_start3A_522 = arith.constant 0 : i32
    %dma_start3A_523 = tpu.memref_slice %arg11[%rem3A_515, %dma_start3A_522] : memref<5x64xi32, #tpu.memory_space<vmem>> -> memref<1x64xi32, #tpu.memory_space<vmem>>
    %dma_start3A_524 = tpu.memref_squeeze %dma_start3A_523 : memref<1x64xi32, #tpu.memory_space<vmem>> -> memref<64xi32, #tpu.memory_space<vmem>>
    %dma_start3A_525 = tpu.memref_slice %arg4[%add3A_517] : memref<163840xi32, #tpu.memory_space<hbm>> -> memref<64xi32, #tpu.memory_space<hbm>>
    tpu.enqueue_dma source(%dma_start3A_525 : memref<64xi32, #tpu.memory_space<hbm>>) target(%dma_start3A_524 : memref<64xi32, #tpu.memory_space<vmem>>) target_semaphore(%arg14 : memref<!tpu.dma_semaphore, #tpu.memory_space<semaphore_mem>>)
    %scan3A_526 = arith.constant 0 : i32
    %scan3A_527 = arith.constant 76 : i32
    %scan3A_528 = arith.addi %scan3A_526, %scan3A_527 : i32
    %scan3A_529 = arith.constant 1 : i32
    scf.for %scan3A_629 = %scan3A_526 to %scan3A_528 step %scan3A_529  : i32 {
      %mul3A_630 = arith.constant 1 : i32
      %mul3A_631 = arith.muli %scan3A_629, %mul3A_630 : i32
      %add3A_632 = arith.constant 2 : i32
      %add3A_633 = arith.addi %add3A_632, %mul3A_631 : i32
      %add3A_634 = arith.constant 1 : i32
      %add3A_635 = arith.addi %add3A_633, %add3A_634 : i32
      %add3A_636 = arith.constant 1 : i32
      %add3A_637 = arith.addi %add3A_633, %add3A_636 : i32
      %rem3A_638 = arith.constant 4 : i32
      %rem3A_639 = arith.remsi %add3A_637, %rem3A_638 : i32
      %mul3A_640 = arith.constant 64 : i32
      %mul3A_641 = arith.muli %add3A_635, %mul3A_640 : i32
      %add3A_642 = arith.addi %mul3A_433, %mul3A_641 : i32
      %dma_wait3A_643 = arith.constant 0 : i32
      %dma_wait3A_644 = tpu.memref_slice %arg11[%rem3A_639, %dma_wait3A_643] : memref<5x64xi32, #tpu.memory_space<vmem>> -> memref<1x64xi32, #tpu.memory_space<vmem>>
      %dma_wait3A_645 = tpu.memref_squeeze %dma_wait3A_644 : memref<1x64xi32, #tpu.memory_space<vmem>> -> memref<64xi32, #tpu.memory_space<vmem>>
      %dma_wait3A_646 = tpu.memref_slice %arg4[%add3A_642] : memref<163840xi32, #tpu.memory_space<hbm>> -> memref<64xi32, #tpu.memory_space<hbm>>
      %dma_wait3A_647 = arith.constant 0 : i32
      %dma_wait3A_648 = tpu.memref_slice %arg11[%rem3A_639, %dma_wait3A_647] : memref<5x64xi32, #tpu.memory_space<vmem>> -> memref<1x64xi32, #tpu.memory_space<vmem>>
      %dma_wait3A_649 = tpu.memref_squeeze %dma_wait3A_648 : memref<1x64xi32, #tpu.memory_space<vmem>> -> memref<64xi32, #tpu.memory_space<vmem>>
      %dma_wait3A_650 = tpu.memref_slice %arg4[%add3A_642] : memref<163840xi32, #tpu.memory_space<hbm>> -> memref<64xi32, #tpu.memory_space<hbm>>
      tpu.wait_dma2 semaphore(%arg14 : memref<!tpu.dma_semaphore, #tpu.memory_space<semaphore_mem>>) src(%dma_wait3A_650 : memref<64xi32, #tpu.memory_space<hbm>>) dst(%dma_wait3A_649 : memref<64xi32, #tpu.memory_space<vmem>>)
      %add3A_651 = arith.constant 2 : i32
      %add3A_652 = arith.addi %add3A_633, %add3A_651 : i32
      %rem3A_653 = arith.constant 4 : i32
      %rem3A_654 = arith.remsi %add3A_652, %rem3A_653 : i32
      %dma_wait3A_655 = arith.constant 0 : i32
      %dma_wait3A_656 = arith.constant 0 : i32
      %dma_wait3A_657 = arith.constant 0 : i32
      %dma_wait3A_658 = tpu.memref_slice %arg12[%dma_wait3A_655, %dma_wait3A_656, %dma_wait3A_657] : memref<4x64x128xf32, #tpu.memory_space<vmem>> -> memref<1x64x128xf32, #tpu.memory_space<vmem>>
      %dma_wait3A_659 = tpu.memref_squeeze %dma_wait3A_658 : memref<1x64x128xf32, #tpu.memory_space<vmem>> -> memref<64x128xf32, #tpu.memory_space<vmem>>
      %dma_wait3A_660 = arith.constant 0 : i32
      %dma_wait3A_661 = tpu.memref_slice %arg11[%rem3A_654, %dma_wait3A_660] : memref<5x64xi32, #tpu.memory_space<vmem>> -> memref<1x64xi32, #tpu.memory_space<vmem>>
      %dma_wait3A_662 = tpu.memref_squeeze %dma_wait3A_661 : memref<1x64xi32, #tpu.memory_space<vmem>> -> memref<64xi32, #tpu.memory_space<vmem>>
      %dma_wait3A_663 = arith.constant 0 : i32
      %dma_wait3A_664 = arith.constant 0 : i32
      %dma_wait3A_665 = tpu.memref_slice %arg9[%dma_wait3A_663, %dma_wait3A_664] : memref<10240x128xf32, #tpu.memory_space<vmem_shared>> -> memref<10240x128xf32, #tpu.memory_space<vmem_shared>>
      tpu.wait_indirect_dma semaphore(%arg15 : memref<!tpu.dma_semaphore, #tpu.memory_space<semaphore_mem>>) src(%dma_wait3A_659 : memref<64x128xf32, #tpu.memory_space<vmem>>) dst(%dma_wait3A_665 : memref<10240x128xf32, #tpu.memory_space<vmem_shared>>)
      %rem3A_666 = arith.constant 4 : i32
      %rem3A_667 = arith.remsi %add3A_633, %rem3A_666 : i32
      %dma_start3A_668 = arith.constant 0 : i32
      %dma_start3A_669 = arith.constant 0 : i32
      %dma_start3A_670 = arith.constant 0 : i32
      %dma_start3A_671 = tpu.memref_slice %arg12[%dma_start3A_668, %dma_start3A_669, %dma_start3A_670] : memref<4x64x128xf32, #tpu.memory_space<vmem>> -> memref<1x64x128xf32, #tpu.memory_space<vmem>>
      %dma_start3A_672 = tpu.memref_squeeze %dma_start3A_671 : memref<1x64x128xf32, #tpu.memory_space<vmem>> -> memref<64x128xf32, #tpu.memory_space<vmem>>
      %dma_start3A_673 = arith.constant 0 : i32
      %dma_start3A_674 = tpu.memref_slice %arg11[%rem3A_667, %dma_start3A_673] : memref<5x64xi32, #tpu.memory_space<vmem>> -> memref<1x64xi32, #tpu.memory_space<vmem>>
      %dma_start3A_675 = tpu.memref_squeeze %dma_start3A_674 : memref<1x64xi32, #tpu.memory_space<vmem>> -> memref<64xi32, #tpu.memory_space<vmem>>
      %dma_start3A_676 = arith.constant 0 : i32
      %dma_start3A_677 = arith.constant 0 : i32
      %dma_start3A_678 = tpu.memref_slice %arg9[%dma_start3A_676, %dma_start3A_677] : memref<10240x128xf32, #tpu.memory_space<vmem_shared>> -> memref<10240x128xf32, #tpu.memory_space<vmem_shared>>
      tpu.enqueue_indirect_dma source(%dma_start3A_672 : memref<64x128xf32, #tpu.memory_space<vmem>>) target(%dma_start3A_678 : memref<10240x128xf32, #tpu.memory_space<vmem_shared>>) offsets(%dma_start3A_675 : memref<64xi32, #tpu.memory_space<vmem>>) semaphore(%arg15 : memref<!tpu.dma_semaphore, #tpu.memory_space<semaphore_mem>>) {add = true}
      %add3A_679 = arith.constant 2 : i32
      %add3A_680 = arith.addi %add3A_633, %add3A_679 : i32
      %add3A_681 = arith.constant 2 : i32
      %add3A_682 = arith.addi %add3A_633, %add3A_681 : i32
      %rem3A_683 = arith.constant 4 : i32
      %rem3A_684 = arith.remsi %add3A_682, %rem3A_683 : i32
      %mul3A_685 = arith.constant 64 : i32
      %mul3A_686 = arith.muli %add3A_680, %mul3A_685 : i32
      %add3A_687 = arith.addi %mul3A_433, %mul3A_686 : i32
      %dma_start3A_688 = arith.constant 0 : i32
      %dma_start3A_689 = tpu.memref_slice %arg11[%rem3A_684, %dma_start3A_688] : memref<5x64xi32, #tpu.memory_space<vmem>> -> memref<1x64xi32, #tpu.memory_space<vmem>>
      %dma_start3A_690 = tpu.memref_squeeze %dma_start3A_689 : memref<1x64xi32, #tpu.memory_space<vmem>> -> memref<64xi32, #tpu.memory_space<vmem>>
      %dma_start3A_691 = tpu.memref_slice %arg4[%add3A_687] : memref<163840xi32, #tpu.memory_space<hbm>> -> memref<64xi32, #tpu.memory_space<hbm>>
      %dma_start3A_692 = arith.constant 0 : i32
      %dma_start3A_693 = tpu.memref_slice %arg11[%rem3A_684, %dma_start3A_692] : memref<5x64xi32, #tpu.memory_space<vmem>> -> memref<1x64xi32, #tpu.memory_space<vmem>>
      %dma_start3A_694 = tpu.memref_squeeze %dma_start3A_693 : memref<1x64xi32, #tpu.memory_space<vmem>> -> memref<64xi32, #tpu.memory_space<vmem>>
      %dma_start3A_695 = tpu.memref_slice %arg4[%add3A_687] : memref<163840xi32, #tpu.memory_space<hbm>> -> memref<64xi32, #tpu.memory_space<hbm>>
      tpu.enqueue_dma source(%dma_start3A_695 : memref<64xi32, #tpu.memory_space<hbm>>) target(%dma_start3A_694 : memref<64xi32, #tpu.memory_space<vmem>>) target_semaphore(%arg14 : memref<!tpu.dma_semaphore, #tpu.memory_space<semaphore_mem>>)
    }
    %scan3A_530 = arith.constant 76 : i32
    %rem3A_531 = arith.constant 79 : i32
    %rem3A_532 = arith.constant 4 : i32
    %rem3A_533 = arith.remsi %rem3A_531, %rem3A_532 : i32
    %add3A_534 = arith.constant 5056 : i32
    %add3A_535 = arith.addi %mul3A_433, %add3A_534 : i32
    %dma_wait3A_536 = arith.constant 0 : i32
    %dma_wait3A_537 = tpu.memref_slice %arg11[%rem3A_533, %dma_wait3A_536] : memref<5x64xi32, #tpu.memory_space<vmem>> -> memref<1x64xi32, #tpu.memory_space<vmem>>
    %dma_wait3A_538 = tpu.memref_squeeze %dma_wait3A_537 : memref<1x64xi32, #tpu.memory_space<vmem>> -> memref<64xi32, #tpu.memory_space<vmem>>
    %dma_wait3A_539 = tpu.memref_slice %arg4[%add3A_535] : memref<163840xi32, #tpu.memory_space<hbm>> -> memref<64xi32, #tpu.memory_space<hbm>>
    %dma_wait3A_540 = arith.constant 0 : i32
    %dma_wait3A_541 = tpu.memref_slice %arg11[%rem3A_533, %dma_wait3A_540] : memref<5x64xi32, #tpu.memory_space<vmem>> -> memref<1x64xi32, #tpu.memory_space<vmem>>
    %dma_wait3A_542 = tpu.memref_squeeze %dma_wait3A_541 : memref<1x64xi32, #tpu.memory_space<vmem>> -> memref<64xi32, #tpu.memory_space<vmem>>
    %dma_wait3A_543 = tpu.memref_slice %arg4[%add3A_535] : memref<163840xi32, #tpu.memory_space<hbm>> -> memref<64xi32, #tpu.memory_space<hbm>>
    tpu.wait_dma2 semaphore(%arg14 : memref<!tpu.dma_semaphore, #tpu.memory_space<semaphore_mem>>) src(%dma_wait3A_543 : memref<64xi32, #tpu.memory_space<hbm>>) dst(%dma_wait3A_542 : memref<64xi32, #tpu.memory_space<vmem>>)
    %rem3A_544 = arith.constant 80 : i32
    %rem3A_545 = arith.constant 4 : i32
    %rem3A_546 = arith.remsi %rem3A_544, %rem3A_545 : i32
    %dma_wait3A_547 = arith.constant 0 : i32
    %dma_wait3A_548 = arith.constant 0 : i32
    %dma_wait3A_549 = arith.constant 0 : i32
    %dma_wait3A_550 = tpu.memref_slice %arg12[%dma_wait3A_547, %dma_wait3A_548, %dma_wait3A_549] : memref<4x64x128xf32, #tpu.memory_space<vmem>> -> memref<1x64x128xf32, #tpu.memory_space<vmem>>
    %dma_wait3A_551 = tpu.memref_squeeze %dma_wait3A_550 : memref<1x64x128xf32, #tpu.memory_space<vmem>> -> memref<64x128xf32, #tpu.memory_space<vmem>>
    %dma_wait3A_552 = arith.constant 0 : i32
    %dma_wait3A_553 = tpu.memref_slice %arg11[%rem3A_546, %dma_wait3A_552] : memref<5x64xi32, #tpu.memory_space<vmem>> -> memref<1x64xi32, #tpu.memory_space<vmem>>
    %dma_wait3A_554 = tpu.memref_squeeze %dma_wait3A_553 : memref<1x64xi32, #tpu.memory_space<vmem>> -> memref<64xi32, #tpu.memory_space<vmem>>
    %dma_wait3A_555 = arith.constant 0 : i32
    %dma_wait3A_556 = arith.constant 0 : i32
    %dma_wait3A_557 = tpu.memref_slice %arg9[%dma_wait3A_555, %dma_wait3A_556] : memref<10240x128xf32, #tpu.memory_space<vmem_shared>> -> memref<10240x128xf32, #tpu.memory_space<vmem_shared>>
    tpu.wait_indirect_dma semaphore(%arg15 : memref<!tpu.dma_semaphore, #tpu.memory_space<semaphore_mem>>) src(%dma_wait3A_551 : memref<64x128xf32, #tpu.memory_space<vmem>>) dst(%dma_wait3A_557 : memref<10240x128xf32, #tpu.memory_space<vmem_shared>>)
    %rem3A_558 = arith.constant 78 : i32
    %rem3A_559 = arith.constant 4 : i32
    %rem3A_560 = arith.remsi %rem3A_558, %rem3A_559 : i32
    %dma_start3A_561 = arith.constant 0 : i32
    %dma_start3A_562 = arith.constant 0 : i32
    %dma_start3A_563 = arith.constant 0 : i32
    %dma_start3A_564 = tpu.memref_slice %arg12[%dma_start3A_561, %dma_start3A_562, %dma_start3A_563] : memref<4x64x128xf32, #tpu.memory_space<vmem>> -> memref<1x64x128xf32, #tpu.memory_space<vmem>>
    %dma_start3A_565 = tpu.memref_squeeze %dma_start3A_564 : memref<1x64x128xf32, #tpu.memory_space<vmem>> -> memref<64x128xf32, #tpu.memory_space<vmem>>
    %dma_start3A_566 = arith.constant 0 : i32
    %dma_start3A_567 = tpu.memref_slice %arg11[%rem3A_560, %dma_start3A_566] : memref<5x64xi32, #tpu.memory_space<vmem>> -> memref<1x64xi32, #tpu.memory_space<vmem>>
    %dma_start3A_568 = tpu.memref_squeeze %dma_start3A_567 : memref<1x64xi32, #tpu.memory_space<vmem>> -> memref<64xi32, #tpu.memory_space<vmem>>
    %dma_start3A_569 = arith.constant 0 : i32
    %dma_start3A_570 = arith.constant 0 : i32
    %dma_start3A_571 = tpu.memref_slice %arg9[%dma_start3A_569, %dma_start3A_570] : memref<10240x128xf32, #tpu.memory_space<vmem_shared>> -> memref<10240x128xf32, #tpu.memory_space<vmem_shared>>
    tpu.enqueue_indirect_dma source(%dma_start3A_565 : memref<64x128xf32, #tpu.memory_space<vmem>>) target(%dma_start3A_571 : memref<10240x128xf32, #tpu.memory_space<vmem_shared>>) offsets(%dma_start3A_568 : memref<64xi32, #tpu.memory_space<vmem>>) semaphore(%arg15 : memref<!tpu.dma_semaphore, #tpu.memory_space<semaphore_mem>>) {add = true}
    %rem3A_572 = arith.constant 81 : i32
    %rem3A_573 = arith.constant 4 : i32
    %rem3A_574 = arith.remsi %rem3A_572, %rem3A_573 : i32
    %dma_wait3A_575 = arith.constant 0 : i32
    %dma_wait3A_576 = arith.constant 0 : i32
    %dma_wait3A_577 = arith.constant 0 : i32
    %dma_wait3A_578 = tpu.memref_slice %arg12[%dma_wait3A_575, %dma_wait3A_576, %dma_wait3A_577] : memref<4x64x128xf32, #tpu.memory_space<vmem>> -> memref<1x64x128xf32, #tpu.memory_space<vmem>>
    %dma_wait3A_579 = tpu.memref_squeeze %dma_wait3A_578 : memref<1x64x128xf32, #tpu.memory_space<vmem>> -> memref<64x128xf32, #tpu.memory_space<vmem>>
    %dma_wait3A_580 = arith.constant 0 : i32
    %dma_wait3A_581 = tpu.memref_slice %arg11[%rem3A_574, %dma_wait3A_580] : memref<5x64xi32, #tpu.memory_space<vmem>> -> memref<1x64xi32, #tpu.memory_space<vmem>>
    %dma_wait3A_582 = tpu.memref_squeeze %dma_wait3A_581 : memref<1x64xi32, #tpu.memory_space<vmem>> -> memref<64xi32, #tpu.memory_space<vmem>>
    %dma_wait3A_583 = arith.constant 0 : i32
    %dma_wait3A_584 = arith.constant 0 : i32
    %dma_wait3A_585 = tpu.memref_slice %arg9[%dma_wait3A_583, %dma_wait3A_584] : memref<10240x128xf32, #tpu.memory_space<vmem_shared>> -> memref<10240x128xf32, #tpu.memory_space<vmem_shared>>
    tpu.wait_indirect_dma semaphore(%arg15 : memref<!tpu.dma_semaphore, #tpu.memory_space<semaphore_mem>>) src(%dma_wait3A_579 : memref<64x128xf32, #tpu.memory_space<vmem>>) dst(%dma_wait3A_585 : memref<10240x128xf32, #tpu.memory_space<vmem_shared>>)
    %rem3A_586 = arith.constant 79 : i32
    %rem3A_587 = arith.constant 4 : i32
    %rem3A_588 = arith.remsi %rem3A_586, %rem3A_587 : i32
    %dma_start3A_589 = arith.constant 0 : i32
    %dma_start3A_590 = arith.constant 0 : i32
    %dma_start3A_591 = arith.constant 0 : i32
    %dma_start3A_592 = tpu.memref_slice %arg12[%dma_start3A_589, %dma_start3A_590, %dma_start3A_591] : memref<4x64x128xf32, #tpu.memory_space<vmem>> -> memref<1x64x128xf32, #tpu.memory_space<vmem>>
    %dma_start3A_593 = tpu.memref_squeeze %dma_start3A_592 : memref<1x64x128xf32, #tpu.memory_space<vmem>> -> memref<64x128xf32, #tpu.memory_space<vmem>>
    %dma_start3A_594 = arith.constant 0 : i32
    %dma_start3A_595 = tpu.memref_slice %arg11[%rem3A_588, %dma_start3A_594] : memref<5x64xi32, #tpu.memory_space<vmem>> -> memref<1x64xi32, #tpu.memory_space<vmem>>
    %dma_start3A_596 = tpu.memref_squeeze %dma_start3A_595 : memref<1x64xi32, #tpu.memory_space<vmem>> -> memref<64xi32, #tpu.memory_space<vmem>>
    %dma_start3A_597 = arith.constant 0 : i32
    %dma_start3A_598 = arith.constant 0 : i32
    %dma_start3A_599 = tpu.memref_slice %arg9[%dma_start3A_597, %dma_start3A_598] : memref<10240x128xf32, #tpu.memory_space<vmem_shared>> -> memref<10240x128xf32, #tpu.memory_space<vmem_shared>>
    tpu.enqueue_indirect_dma source(%dma_start3A_593 : memref<64x128xf32, #tpu.memory_space<vmem>>) target(%dma_start3A_599 : memref<10240x128xf32, #tpu.memory_space<vmem_shared>>) offsets(%dma_start3A_596 : memref<64xi32, #tpu.memory_space<vmem>>) semaphore(%arg15 : memref<!tpu.dma_semaphore, #tpu.memory_space<semaphore_mem>>) {add = true}
    %dma_wait3A_600 = arith.constant 0 : i32
    %dma_wait3A_601 = arith.constant 2 : i32
    %dma_wait3A_602 = arith.constant 0 : i32
    %dma_wait3A_603 = arith.constant 0 : i32
    %dma_wait3A_604 = tpu.memref_slice %arg12[%dma_wait3A_600, %dma_wait3A_602, %dma_wait3A_603] : memref<4x64x128xf32, #tpu.memory_space<vmem>> -> memref<1x64x128xf32, #tpu.memory_space<vmem>>
    %dma_wait3A_605 = tpu.memref_squeeze %dma_wait3A_604 : memref<1x64x128xf32, #tpu.memory_space<vmem>> -> memref<64x128xf32, #tpu.memory_space<vmem>>
    %dma_wait3A_606 = arith.constant 0 : i32
    %dma_wait3A_607 = tpu.memref_slice %arg11[%dma_wait3A_601, %dma_wait3A_606] : memref<5x64xi32, #tpu.memory_space<vmem>> -> memref<1x64xi32, #tpu.memory_space<vmem>>
    %dma_wait3A_608 = tpu.memref_squeeze %dma_wait3A_607 : memref<1x64xi32, #tpu.memory_space<vmem>> -> memref<64xi32, #tpu.memory_space<vmem>>
    %dma_wait3A_609 = arith.constant 0 : i32
    %dma_wait3A_610 = arith.constant 0 : i32
    %dma_wait3A_611 = tpu.memref_slice %arg9[%dma_wait3A_609, %dma_wait3A_610] : memref<10240x128xf32, #tpu.memory_space<vmem_shared>> -> memref<10240x128xf32, #tpu.memory_space<vmem_shared>>
    tpu.wait_indirect_dma semaphore(%arg15 : memref<!tpu.dma_semaphore, #tpu.memory_space<semaphore_mem>>) src(%dma_wait3A_605 : memref<64x128xf32, #tpu.memory_space<vmem>>) dst(%dma_wait3A_611 : memref<10240x128xf32, #tpu.memory_space<vmem_shared>>)
    %dma_wait3A_612 = arith.constant 0 : i32
    %dma_wait3A_613 = arith.constant 3 : i32
    %dma_wait3A_614 = arith.constant 0 : i32
    %dma_wait3A_615 = arith.constant 0 : i32
    %dma_wait3A_616 = tpu.memref_slice %arg12[%dma_wait3A_612, %dma_wait3A_614, %dma_wait3A_615] : memref<4x64x128xf32, #tpu.memory_space<vmem>> -> memref<1x64x128xf32, #tpu.memory_space<vmem>>
    %dma_wait3A_617 = tpu.memref_squeeze %dma_wait3A_616 : memref<1x64x128xf32, #tpu.memory_space<vmem>> -> memref<64x128xf32, #tpu.memory_space<vmem>>
    %dma_wait3A_618 = arith.constant 0 : i32
    %dma_wait3A_619 = tpu.memref_slice %arg11[%dma_wait3A_613, %dma_wait3A_618] : memref<5x64xi32, #tpu.memory_space<vmem>> -> memref<1x64xi32, #tpu.memory_space<vmem>>
    %dma_wait3A_620 = tpu.memref_squeeze %dma_wait3A_619 : memref<1x64xi32, #tpu.memory_space<vmem>> -> memref<64xi32, #tpu.memory_space<vmem>>
    %dma_wait3A_621 = arith.constant 0 : i32
    %dma_wait3A_622 = arith.constant 0 : i32
    %dma_wait3A_623 = tpu.memref_slice %arg9[%dma_wait3A_621, %dma_wait3A_622] : memref<10240x128xf32, #tpu.memory_space<vmem_shared>> -> memref<10240x128xf32, #tpu.memory_space<vmem_shared>>
    tpu.wait_indirect_dma semaphore(%arg15 : memref<!tpu.dma_semaphore, #tpu.memory_space<semaphore_mem>>) src(%dma_wait3A_617 : memref<64x128xf32, #tpu.memory_space<vmem>>) dst(%dma_wait3A_623 : memref<10240x128xf32, #tpu.memory_space<vmem_shared>>)
    %barrier3A_624 = arith.constant 0 : index
    tpu.barrier barrier_id(%barrier3A_624)
    %mul3A_625 = arith.constant 640 : i32
    %mul3A_626 = arith.muli %arg1, %mul3A_625 : i32
    %mul3A_627 = arith.constant 640 : i32
    %mul3A_628 = arith.muli %arg1, %mul3A_627 : i32
    "tpu.region"() ({
      %run_scoped3A_629 = tpu.sem_alloc : memref<!tpu.dma_semaphore, #tpu.memory_space<semaphore_mem>>
      %dma_start3A_630 = arith.constant 0 : i32
      %dma_start3A_631 = tpu.memref_slice %arg8[%arg0, %mul3A_628, %dma_start3A_630] : memref<2x10240x128xf32, #tpu.memory_space<hbm>> -> memref<1x640x128xf32, #tpu.memory_space<hbm>>
      %dma_start3A_632 = tpu.memref_squeeze %dma_start3A_631 : memref<1x640x128xf32, #tpu.memory_space<hbm>> -> memref<640x128xf32, #tpu.memory_space<hbm>>
      %dma_start3A_633 = arith.constant 0 : i32
      %dma_start3A_634 = tpu.memref_slice %arg9[%mul3A_626, %dma_start3A_633] : memref<10240x128xf32, #tpu.memory_space<vmem_shared>> -> memref<640x128xf32, #tpu.memory_space<vmem_shared>>
      tpu.enqueue_dma source(%dma_start3A_634 : memref<640x128xf32, #tpu.memory_space<vmem_shared>>) target(%dma_start3A_632 : memref<640x128xf32, #tpu.memory_space<hbm>>) target_semaphore(%run_scoped3A_629 : memref<!tpu.dma_semaphore, #tpu.memory_space<semaphore_mem>>)
      %dma_wait3A_635 = arith.constant 0 : i32
      %dma_wait3A_636 = tpu.memref_slice %arg8[%arg0, %mul3A_628, %dma_wait3A_635] : memref<2x10240x128xf32, #tpu.memory_space<hbm>> -> memref<1x640x128xf32, #tpu.memory_space<hbm>>
      %dma_wait3A_637 = tpu.memref_squeeze %dma_wait3A_636 : memref<1x640x128xf32, #tpu.memory_space<hbm>> -> memref<640x128xf32, #tpu.memory_space<hbm>>
      %dma_wait3A_638 = arith.constant 0 : i32
      %dma_wait3A_639 = tpu.memref_slice %arg9[%mul3A_626, %dma_wait3A_638] : memref<10240x128xf32, #tpu.memory_space<vmem_shared>> -> memref<640x128xf32, #tpu.memory_space<vmem_shared>>
      tpu.wait_dma2 semaphore(%run_scoped3A_629 : memref<!tpu.dma_semaphore, #tpu.memory_space<semaphore_mem>>) src(%dma_wait3A_639 : memref<640x128xf32, #tpu.memory_space<vmem_shared>>) dst(%dma_wait3A_637 : memref<640x128xf32, #tpu.memory_space<hbm>>)
      tpu.yield
    }) : () -> ()
    return
  }
}

module attributes {stable_mosaic.version = 14 : i64} {
  func.func @_mm_body(%arg0: memref<256x10000xf32, #tpu.memory_space<vmem>>, %arg1: memref<256x256xf32, #tpu.memory_space<vmem>>, %arg2: memref<256x256xf32, #tpu.memory_space<vmem>>, %arg3: memref<10000x256xf32, #tpu.memory_space<vmem>>, %arg4: memref<2x10000x128xf32, #tpu.memory_space<vmem>>) attributes {dimension_semantics = [], scalar_prefetch = 0 : i64, scratch_operands = 0 : i64, tpu.core_type = #tpu.core_type<tc>} {
    %get3A = arith.constant 0 : index
    %get3A_0 = arith.constant 0 : index
    %get3A_1 = vector.load %arg0[%get3A, %get3A_0] : memref<256x10000xf32, #tpu.memory_space<vmem>>, vector<256x10000xf32>
    %get3A_2 = arith.constant 0 : index
    %get3A_3 = arith.constant 0 : index
    %get3A_4 = vector.load %arg1[%get3A_2, %get3A_3] : memref<256x256xf32, #tpu.memory_space<vmem>>, vector<256x256xf32>
    %dot_general3A = arith.constant dense<0.000000e+00> : vector<10000x256xf32>
    %dot_general3A_5 = tpu.matmul %get3A_1, %get3A_4, %dot_general3A {dimension_numbers = #tpu.dot_dimension_numbers<[0], [0], [1], [1], [0, 1, 1, 1], [], []>, transpose_lhs_hint = false} : vector<256x10000xf32>, vector<256x256xf32>, vector<10000x256xf32> -> vector<10000x256xf32>
    %get3A_6 = arith.constant 0 : index
    %get3A_7 = arith.constant 0 : index
    %get3A_8 = vector.load %arg2[%get3A_6, %get3A_7] : memref<256x256xf32, #tpu.memory_space<vmem>>, vector<256x256xf32>
    %dot_general3A_9 = arith.constant dense<0.000000e+00> : vector<10000x256xf32>
    %dot_general3A_10 = tpu.matmul %get3A_1, %get3A_8, %dot_general3A_9 {dimension_numbers = #tpu.dot_dimension_numbers<[0], [0], [1], [1], [0, 1, 1, 1], [], []>, transpose_lhs_hint = false} : vector<256x10000xf32>, vector<256x256xf32>, vector<10000x256xf32> -> vector<10000x256xf32>
    %swap3A = arith.constant 0 : index
    %swap3A_11 = arith.constant 0 : index
    %swap3A_12 = vector.load %arg3[%swap3A, %swap3A_11] : memref<10000x256xf32, #tpu.memory_space<vmem>>, vector<10000x256xf32>
    tpu.vector_store %arg3[%swap3A, %swap3A_11], %dot_general3A_5 {strides = array<i32>} : memref<10000x256xf32, #tpu.memory_space<vmem>>, vector<10000x256xf32>,
    %slice3A = vector.extract_strided_slice %dot_general3A_10 {offsets = [0, 0], sizes = [10000, 128], strides = [1, 1]} : vector<10000x256xf32> to vector<10000x128xf32>
    %swap3A_13 = arith.constant 0 : index
    %swap3A_14 = arith.constant 0 : index
    %swap3A_15 = arith.constant 0 : index
    %swap3A_16 = vector.load %arg4[%swap3A_13, %swap3A_14, %swap3A_15] : memref<2x10000x128xf32, #tpu.memory_space<vmem>>, vector<1x10000x128xf32>
    %swap3A_17 = vector.shape_cast %swap3A_16 : vector<1x10000x128xf32> to vector<10000x128xf32>
    %swap3A_18 = vector.shape_cast %slice3A : vector<10000x128xf32> to vector<1x10000x128xf32>
    tpu.vector_store %arg4[%swap3A_13, %swap3A_14, %swap3A_15], %swap3A_18 {strides = array<i32>} : memref<2x10000x128xf32, #tpu.memory_space<vmem>>, vector<1x10000x128xf32>,
    %slice3A_19 = vector.extract_strided_slice %dot_general3A_10 {offsets = [0, 128], sizes = [10000, 128], strides = [1, 1]} : vector<10000x256xf32> to vector<10000x128xf32>
    %swap3A_20 = arith.constant 1 : index
    %swap3A_21 = arith.constant 0 : index
    %swap3A_22 = arith.constant 0 : index
    %swap3A_23 = vector.load %arg4[%swap3A_20, %swap3A_21, %swap3A_22] : memref<2x10000x128xf32, #tpu.memory_space<vmem>>, vector<1x10000x128xf32>
    %swap3A_24 = vector.shape_cast %swap3A_23 : vector<1x10000x128xf32> to vector<10000x128xf32>
    %swap3A_25 = vector.shape_cast %slice3A_19 : vector<10000x128xf32> to vector<1x10000x128xf32>
    tpu.vector_store %arg4[%swap3A_20, %swap3A_21, %swap3A_22], %swap3A_25 {strides = array<i32>} : memref<2x10000x128xf32, #tpu.memory_space<vmem>>, vector<1x10000x128xf32>,
    return
  }
}

module attributes {stable_mosaic.version = 14 : i64} {
  func.func @_c1_body(%arg0: memref<2x10240x128xf32, #tpu.memory_space<vmem>>, %arg1: memref<2x10240x128xf32, #tpu.memory_space<vmem>>, %arg2: memref<10000x256xf32, #tpu.memory_space<vmem>>, %arg3: memref<10000x256xf32, #tpu.memory_space<vmem>>, %arg4: memref<8x256xf32, #tpu.memory_space<vmem>>) attributes {dimension_semantics = [], scalar_prefetch = 0 : i64, scratch_operands = 0 : i64, tpu.core_type = #tpu.core_type<tc>} {
    %get3A = arith.constant 0 : index
    %get3A_0 = arith.constant 0 : index
    %get3A_1 = arith.constant 0 : index
    %get3A_2 = vector.load %arg0[%get3A, %get3A_0, %get3A_1] : memref<2x10240x128xf32, #tpu.memory_space<vmem>>, vector<1x10240x128xf32>
    %get3A_3 = vector.shape_cast %get3A_2 : vector<1x10240x128xf32> to vector<10240x128xf32>
    %slice3A = vector.extract_strided_slice %get3A_3 {offsets = [0, 0], sizes = [10000, 128], strides = [1, 1]} : vector<10240x128xf32> to vector<10000x128xf32>
    %get3A_4 = arith.constant 1 : index
    %get3A_5 = arith.constant 0 : index
    %get3A_6 = arith.constant 0 : index
    %get3A_7 = vector.load %arg0[%get3A_4, %get3A_5, %get3A_6] : memref<2x10240x128xf32, #tpu.memory_space<vmem>>, vector<1x10240x128xf32>
    %get3A_8 = vector.shape_cast %get3A_7 : vector<1x10240x128xf32> to vector<10240x128xf32>
    %slice3A_9 = vector.extract_strided_slice %get3A_8 {offsets = [0, 0], sizes = [10000, 128], strides = [1, 1]} : vector<10240x128xf32> to vector<10000x128xf32>
    %concatenate3A = tpu.concatenate %slice3A, %slice3A_9 in 1 : vector<10000x128xf32>, vector<10000x128xf32> -> vector<10000x256xf32>
    %get3A_10 = arith.constant 0 : index
    %get3A_11 = arith.constant 0 : index
    %get3A_12 = arith.constant 0 : index
    %get3A_13 = vector.load %arg1[%get3A_10, %get3A_11, %get3A_12] : memref<2x10240x128xf32, #tpu.memory_space<vmem>>, vector<1x10240x128xf32>
    %get3A_14 = vector.shape_cast %get3A_13 : vector<1x10240x128xf32> to vector<10240x128xf32>
    %slice3A_15 = vector.extract_strided_slice %get3A_14 {offsets = [0, 0], sizes = [10000, 1], strides = [1, 1]} : vector<10240x128xf32> to vector<10000x1xf32>
    %get3A_16 = arith.constant 1 : index
    %get3A_17 = arith.constant 0 : index
    %get3A_18 = arith.constant 0 : index
    %get3A_19 = vector.load %arg1[%get3A_16, %get3A_17, %get3A_18] : memref<2x10240x128xf32, #tpu.memory_space<vmem>>, vector<1x10240x128xf32>
    %get3A_20 = vector.shape_cast %get3A_19 : vector<1x10240x128xf32> to vector<10240x128xf32>
    %slice3A_21 = vector.extract_strided_slice %get3A_20 {offsets = [0, 0], sizes = [10000, 1], strides = [1, 1]} : vector<10240x128xf32> to vector<10000x1xf32>
    %add3A = arith.addf %slice3A_15, %slice3A_21 : vector<10000x1xf32>
    %max3A = arith.constant 1.000000e+00 : f32
    %max3A_22 = vector.broadcast %max3A : f32 to vector<10000x1xf32>
    %max3A_23 = arith.maximumf %add3A, %max3A_22 : vector<10000x1xf32>
    %div3A = vector.broadcast %max3A_23 : vector<10000x1xf32> to vector<10000x256xf32>
    %div3A_24 = arith.divf %concatenate3A, %div3A : vector<10000x256xf32>
    %get3A_25 = arith.constant 0 : index
    %get3A_26 = arith.constant 0 : index
    %get3A_27 = vector.load %arg2[%get3A_25, %get3A_26] : memref<10000x256xf32, #tpu.memory_space<vmem>>, vector<10000x256xf32>
    %add3A_28 = arith.addf %div3A_24, %get3A_27 : vector<10000x256xf32>
    %swap3A = arith.constant 0 : index
    %swap3A_29 = arith.constant 0 : index
    %swap3A_30 = vector.load %arg3[%swap3A, %swap3A_29] : memref<10000x256xf32, #tpu.memory_space<vmem>>, vector<10000x256xf32>
    tpu.vector_store %arg3[%swap3A, %swap3A_29], %add3A_28 {strides = array<i32>} : memref<10000x256xf32, #tpu.memory_space<vmem>>, vector<10000x256xf32>,
    %reduce_sum3A = arith.constant dense<0.000000e+00> : vector<256xf32>
    %reduce_sum3A_31 = vector.multi_reduction <add>, %add3A_28, %reduce_sum3A [0] : vector<10000x256xf32> to vector<256xf32>
    %broadcast_in_dim3A = vector.shape_cast %reduce_sum3A_31 : vector<256xf32> to vector<1x256xf32>
    %swap3A_32 = arith.constant 0 : index
    %swap3A_33 = arith.constant 0 : index
    %swap3A_34 = vector.load %arg4[%swap3A_32, %swap3A_33] : memref<8x256xf32, #tpu.memory_space<vmem>>, vector<1x256xf32>
    tpu.vector_store %arg4[%swap3A_32, %swap3A_33], %broadcast_in_dim3A {strides = array<i32>} : memref<8x256xf32, #tpu.memory_space<vmem>>, vector<1x256xf32>,
    %mul3A = arith.mulf %add3A_28, %add3A_28 : vector<10000x256xf32>
    %reduce_sum3A_35 = arith.constant dense<0.000000e+00> : vector<256xf32>
    %reduce_sum3A_36 = vector.multi_reduction <add>, %mul3A, %reduce_sum3A_35 [0] : vector<10000x256xf32> to vector<256xf32>
    %broadcast_in_dim3A_37 = vector.shape_cast %reduce_sum3A_36 : vector<256xf32> to vector<1x256xf32>
    %swap3A_38 = arith.constant 1 : index
    %swap3A_39 = arith.constant 0 : index
    %swap3A_40 = vector.load %arg4[%swap3A_38, %swap3A_39] : memref<8x256xf32, #tpu.memory_space<vmem>>, vector<1x256xf32>
    tpu.vector_store %arg4[%swap3A_38, %swap3A_39], %broadcast_in_dim3A_37 {strides = array<i32>} : memref<8x256xf32, #tpu.memory_space<vmem>>, vector<1x256xf32>,
    %broadcast_in_dim3A_41 = arith.constant 0.000000e+00 : f32
    %broadcast_in_dim3A_42 = vector.broadcast %broadcast_in_dim3A_41 : f32 to vector<6x256xf32>
    %swap3A_43 = arith.constant 2 : index
    %swap3A_44 = arith.constant 0 : index
    %swap3A_45 = vector.load %arg4[%swap3A_43, %swap3A_44] : memref<8x256xf32, #tpu.memory_space<vmem>>, vector<6x256xf32>
    tpu.vector_store %arg4[%swap3A_43, %swap3A_44], %broadcast_in_dim3A_42 {strides = array<i32>} : memref<8x256xf32, #tpu.memory_space<vmem>>, vector<6x256xf32>,
    return
  }
}

module attributes {stable_mosaic.version = 14 : i64} {
  func.func @_c2_body(%arg0: memref<10000x256xf32, #tpu.memory_space<vmem>>, %arg1: memref<8x256xf32, #tpu.memory_space<vmem>>, %arg2: memref<1x256xf32, #tpu.memory_space<vmem>>, %arg3: memref<1x256xf32, #tpu.memory_space<vmem>>, %arg4: memref<1x1xf32, #tpu.memory_space<vmem>>, %arg5: memref<256x10000xf32, #tpu.memory_space<vmem>>) attributes {dimension_semantics = [], scalar_prefetch = 0 : i64, scratch_operands = 0 : i64, tpu.core_type = #tpu.core_type<tc>} {
    %get3A = arith.constant 0 : index
    %get3A_0 = arith.constant 0 : index
    %get3A_1 = vector.load %arg0[%get3A, %get3A_0] : memref<10000x256xf32, #tpu.memory_space<vmem>>, vector<10000x256xf32>
    %get3A_2 = arith.constant 0 : index
    %get3A_3 = arith.constant 0 : index
    %get3A_4 = vector.load %arg1[%get3A_2, %get3A_3] : memref<8x256xf32, #tpu.memory_space<vmem>>, vector<1x256xf32>
    %div3A = arith.constant 1.000000e+04 : f32
    %div3A_5 = vector.broadcast %div3A : f32 to vector<1x256xf32>
    %div3A_6 = arith.divf %get3A_4, %div3A_5 : vector<1x256xf32>
    %get3A_7 = arith.constant 1 : index
    %get3A_8 = arith.constant 0 : index
    %get3A_9 = vector.load %arg1[%get3A_7, %get3A_8] : memref<8x256xf32, #tpu.memory_space<vmem>>, vector<1x256xf32>
    %div3A_10 = arith.constant 1.000000e+04 : f32
    %div3A_11 = vector.broadcast %div3A_10 : f32 to vector<1x256xf32>
    %div3A_12 = arith.divf %get3A_9, %div3A_11 : vector<1x256xf32>
    %mul3A = arith.mulf %div3A_6, %div3A_6 : vector<1x256xf32>
    %sub3A = arith.subf %div3A_12, %mul3A : vector<1x256xf32>
    %add3A = arith.constant 9.99999974E-6 : f32
    %add3A_13 = vector.broadcast %add3A : f32 to vector<1x256xf32>
    %add3A_14 = arith.addf %sub3A, %add3A_13 : vector<1x256xf32>
    %rsqrt3A = math.rsqrt %add3A_14 : vector<1x256xf32>
    %sub3A_15 = vector.broadcast %div3A_6 : vector<1x256xf32> to vector<10000x256xf32>
    %sub3A_16 = arith.subf %get3A_1, %sub3A_15 : vector<10000x256xf32>
    %get3A_17 = arith.constant 0 : index
    %get3A_18 = arith.constant 0 : index
    %get3A_19 = vector.load %arg2[%get3A_17, %get3A_18] : memref<1x256xf32, #tpu.memory_space<vmem>>, vector<1x256xf32>
    %mul3A_20 = arith.mulf %rsqrt3A, %get3A_19 : vector<1x256xf32>
    %mul3A_21 = vector.broadcast %mul3A_20 : vector<1x256xf32> to vector<10000x256xf32>
    %mul3A_22 = arith.mulf %sub3A_16, %mul3A_21 : vector<10000x256xf32>
    %get3A_23 = arith.constant 0 : index
    %get3A_24 = arith.constant 0 : index
    %get3A_25 = vector.load %arg3[%get3A_23, %get3A_24] : memref<1x256xf32, #tpu.memory_space<vmem>>, vector<1x256xf32>
    %add3A_26 = vector.broadcast %get3A_25 : vector<1x256xf32> to vector<10000x256xf32>
    %add3A_27 = arith.addf %mul3A_22, %add3A_26 : vector<10000x256xf32>
    %gt3A = arith.constant 0.000000e+00 : f32
    %gt3A_28 = vector.broadcast %gt3A : f32 to vector<10000x256xf32>
    %gt3A_29 = arith.cmpf ogt, %add3A_27, %gt3A_28 : vector<10000x256xf32>
    %get3A_30 = arith.constant 0 : index
    %get3A_31 = arith.constant 0 : index
    %get3A_32 = vector.load %arg4[%get3A_30, %get3A_31] : memref<1x1xf32, #tpu.memory_space<vmem>>, vector<1x1xf32>
    %get3A_33 = vector.extract %get3A_32[0, 0] : f32 from vector<1x1xf32>
    %mul3A_34 = vector.broadcast %get3A_33 : f32 to vector<10000x256xf32>
    %mul3A_35 = arith.mulf %mul3A_34, %add3A_27 : vector<10000x256xf32>
    %select_n3A = arith.select %gt3A_29, %add3A_27, %mul3A_35 : vector<10000x256xi1>, vector<10000x256xf32>
    %transpose3A = tpu.transpose %select_n3A, [1, 0] : vector<10000x256xf32> -> vector<256x10000xf32>
    %swap3A = arith.constant 0 : index
    %swap3A_36 = arith.constant 0 : index
    %swap3A_37 = vector.load %arg5[%swap3A, %swap3A_36] : memref<256x10000xf32, #tpu.memory_space<vmem>>, vector<256x10000xf32>
    tpu.vector_store %arg5[%swap3A, %swap3A_36], %transpose3A {strides = array<i32>} : memref<256x10000xf32, #tpu.memory_space<vmem>>, vector<256x10000xf32>,
    return
  }
}

</mosaic_0001>

<sc_bundles>
// kernel: kernel.6.cloned.1.call-start
scs
__scs_entry_jumppad:
0x0: {  	(pc) =	sbr.rel $0x88, $3  }
0x1: {  	(tag) =	ssettag $0x0;
	lr =	simm.s32 $0x1  }
0x2: {  	[smem:$0x3F99] =	sst lr;
	_ =	strace $0xD0000000  }
0x3: {  	_ = 	snop  }
0x4: {  	_ = 	snop  }
0x5: {  	_ = 	snop  }
0x6: {  	_ = 	snop  }
0x7: {  	_ = 	snop  }
__scs_overlays_trampoline_lowered:
0x8: {  	[smem:$0x3FA8] =	sst s0  }
0x9: {  	[smem:$0x3FA9] =	sst s1  }
0xa: {  	[smem:$0x3FAA] =	sst s2  }
0xb: {  	[smem:$0x3FAB] =	sst s3  }
0xc: {  	[smem:$0x3FAC] =	sst s4  }
0xd: {  	[smem:$0x3FAD] =	sst s5  }
0xe: {  	[smem:$0x3FAE] =	sst s6  }
0xf: {  	[smem:$0x3FAF] =	sst s7  }
0x10: {  	[smem:$0x3FB0] =	sst s8  }
0x11: {  	[smem:$0x3FB1] =	sst s9;
	s0 =	simm.s32 @!p0 $0x0  }
0x12: {  	s1 =	sld [smem:$0x3F97];
	s0 =	simm.s32 @p0 $0x1  }
0x13: {  	[smem:$0x3FB2] =	sst s0;
	s0 =	simm.s32 @!p1 $0x0  }
0x14: {  	s2 =	sld [smem:$0x3F96];
	s0 =	simm.s32 @p1 $0x1  }
0x15: {  	[smem:$0x3FB3] =	sst s0;
	s0 =	simm.s32 @!p2 $0x0  }
0x16: {  	s3 =	sld [smem:$0x3FDB];
	s0 =	simm.s32 @p2 $0x1  }
0x17: {  	s4 =	simm.s32 $0x1BF5;
	[smem:$0x3FB5] =	sst s0  }
0x18: {  	s0 =	sld [smem:$0x3F98];
	_ =	swait.ge [sflag:s4], $0x0  }
0x19: {  	s7 =	sld [smem:$0x3F99]  }
0x1a: {  	s8 =	sadd.s32 $0xFFFFE003, lr  }
0x1b: {  	s9 =	sadd.s32 $0xFFFFFEF7, lr;
	s5 =	simm.s32 $0xFFFFFFFF;
	p2 =	slt.u32 s8, $0xFFFFF086  }
0x1c: {  	p1 =	slt.u32 s9, $0xF7A;
	s5 =	simm.s32 @!p2 $0x0  }
0x1d: {  	s5 =	simm.s32 @p1 $0x1;
	p0 =	seq.s32 s7, s2  }
0x1e: {  	s7 =	smul.u32 @!p0 $0xF7A, s2;
	p2 =	seq.s32 @!p0 s5, $0x0  }
0x1f: {  	s9 =	smul.u32 $0xF7A, s1;
	s8 =	simm.s32 @!p0 $0x1BF5;
	p2 =	por !p2, p0  }
0x20: {  	[sflag:s8] =	ssyncset.s32 @!p0 $0xFFFFF086;
	s6 =	sadd.s32 @!p0 s3, s7;
	s7 =	simm.s32 @!p0 $0x108  }
0x21: {  	s3 =	sadd.s32 s3, s9;
	s6 =	sadd.s32 @!p0 $0x88, s6;
	s7 =	simm.s32 @p2 $0x1082  }
0x22: {  	[simem:s7], [sflag:s8] =	dma.local @!p0 [hbm:s6], $0xF7A  }
0x23: {  	s9 =	sor.u32 $0xD0000000, s2;
	s6 =	simm.s32 $0x108;
	_ =	swait.ge @!p0 [sflag:s8], $0x0  }
0x24: {  	s3 =	sadd.s32 $0x88, s3;
	s6 =	simm.s32 @!p1 $0x1082;
	[sflag:s4] =	ssyncset.s32 $0xFFFFF086  }
0x25: {  	[simem:s6], [sflag:s4] =	dma.local [hbm:s3], $0xF7A  }
0x26: {  	[smem:$0x3F99] =	sst s1;
	(tag) =	ssettag s2;
	_ =	strace s9  }
0x27: {  	s1 =	sld [smem:$0x3FA9]  }
0x28: {  	s2 =	sld [smem:$0x3FAA]  }
0x29: {  	s4 =	sld [smem:$0x3FAC]  }
0x2a: {  	p0 =	seq.s32 s5, $0x0;
	s5 =	sld [smem:$0x3FAD]  }
0x2b: {  	s6 =	sld [smem:$0x3FAE]  }
0x2c: {  	s7 =	sld [smem:$0x3FAF]  }
0x2d: {  	s3 =	simm.s32 $0x108;
	s8 =	sld [smem:$0x3FB0]  }
0x2e: {  	s3 =	simm.s32 @!p0 $0x1082;
	s9 =	sld [smem:$0x3FB1]  }
0x2f: {  	lr =	sadd.s32 s0, s3;
	s0 =	sld [smem:$0x3FA8]  }
0x30: {  	s3 =	sld [smem:$0x3FAB]  }
0x31: {  	[smem:$0x3FB4] =	sst s10  }
0x32: {  	s10 =	sld [smem:$0x3FB2];
	_ =	sdelay $0x3  }
0x33: {  	p0 =	seq.s32 s10, $0x1;
	s10 =	sld [smem:$0x3FB4];
	_ =	sdelay $0x3  }
0x34: {  	[smem:$0x3FB4] =	sst s10  }
0x35: {  	s10 =	sld [smem:$0x3FB3];
	_ =	sdelay $0x3  }
0x36: {  	p1 =	seq.s32 s10, $0x1;
	s10 =	sld [smem:$0x3FB4];
	_ =	sdelay $0x3  }
0x37: {  	[smem:$0x3FB4] =	sst s10  }
0x38: {  	s10 =	sld [smem:$0x3FB5]  }
0x39: {  	_ = 	snop;
	(pc) =	sbr.ind lr, $3  }
0x3a: {  	_ = 	snop  }
0x3b: {  	_ = 	snop  }
0x3c: {  	p2 =	seq.s32 s10, $0x1;
	s10 =	sld [smem:$0x3FB4]  }
0x3d: {  	_ =	shalt  }
0x3e: {  	_ =	shalt  }
0x3f: {  	_ =	shalt  }
0x40: {  	_ =	shalt  }
0x41: {  	_ =	shalt  }
0x42: {  	_ =	shalt  }
0x43: {  	_ =	shalt  }
0x44: {  	_ =	shalt  }
0x45: {  	_ =	shalt  }
0x46: {  	_ =	shalt  }
0x47: {  	_ =	shalt  }
0x48: {  	_ =	shalt  }
0x49: {  	_ =	shalt  }
0x4a: {  	_ =	shalt  }
0x4b: {  	_ =	shalt  }
0x4c: {  	_ =	shalt  }
0x4d: {  	_ =	shalt  }
0x4e: {  	_ =	shalt  }
0x4f: {  	_ =	shalt  }
0x50: {  	_ =	shalt  }
0x51: {  	_ =	shalt  }
0x52: {  	_ =	shalt  }
0x53: {  	_ =	shalt  }
0x54: {  	_ =	shalt  }
0x55: {  	_ =	shalt  }
0x56: {  	_ =	shalt  }
0x57: {  	_ =	shalt  }
0x58: {  	_ =	shalt  }
0x59: {  	_ =	shalt  }
0x5a: {  	_ =	shalt  }
0x5b: {  	_ =	shalt  }
0x5c: {  	_ =	shalt  }
0x5d: {  	_ =	shalt  }
0x5e: {  	_ =	shalt  }
0x5f: {  	_ =	shalt  }
0x60: {  	_ =	shalt  }
0x61: {  	_ =	shalt  }
0x62: {  	_ =	shalt  }
0x63: {  	_ =	shalt  }
0x64: {  	_ =	shalt  }
0x65: {  	_ =	shalt  }
0x66: {  	_ =	shalt  }
0x67: {  	_ =	shalt  }
0x68: {  	_ =	shalt  }
0x69: {  	_ =	shalt  }
0x6a: {  	_ =	shalt  }
0x6b: {  	_ =	shalt  }
0x6c: {  	_ =	shalt  }
0x6d: {  	_ =	shalt  }
0x6e: {  	_ =	shalt  }
0x6f: {  	_ =	shalt  }
0x70: {  	_ =	shalt  }
0x71: {  	_ =	shalt  }
0x72: {  	_ =	shalt  }
0x73: {  	_ =	shalt  }
0x74: {  	_ =	shalt  }
0x75: {  	_ =	shalt  }
0x76: {  	_ =	shalt  }
0x77: {  	_ =	shalt  }
0x78: {  	_ =	shalt  }
0x79: {  	_ =	shalt  }
0x7a: {  	_ =	shalt  }
0x7b: {  	_ =	shalt  }
0x7c: {  	_ =	shalt  }
0x7d: {  	_ =	shalt  }
0x7e: {  	_ =	shalt  }
0x7f: {  	_ =	shalt  }
0x80: {  	_ =	shalt  }
0x81: {  	_ =	shalt  }
0x82: {  	_ =	shalt  }
0x83: {  	_ =	shalt  }
0x84: {  	_ =	shalt  }
0x85: {  	_ =	shalt  }
0x86: {  	_ =	shalt  }
0x87: {  	_ =	shalt  }
.Lfunc_end0:
.L_simem_size_0:
called_computation_lowered:
.L_overlay_start_0:
0x88: {  	s2 =	sld [smem:$0x3FD9]  }
0x89: {  	s3 =	sld [smem:$0x3FFE];
	_ =	sdelay $0x1  }
0x8a: {  	s1 =	srdreg.scid  }
0x8b: {  	s0 =	sand.u32 $0x1, s1  }
0x8c: {  	s17 =	sshll.u32 s0, $0xA;
	s2 =	sadd.s32 s3, s2  }
0x8d: {  	s2 =	sadd.s32 s2, s17  }
0x8e: {  	[smem:$0x3FC0] =	sst s2  }
0x8f: {  	_ = 	snop  }
0x90: {  	s2 =	sld [smem:$0x3FD0];
	(tm) =	ssettm $0x1  }
0x91: {  	s18 =	sld [smem:$0x3FFB];
	_ =	sdelay $0x3  }
0x92: {  	_ =	strace s18  }
0x93: {  	s3 =	sld [smem:$0x3FFC];
	_ =	sdelay $0x3  }
0x94: {  	_ =	strace s3  }
0x95: {  	s3 =	sld [smem:$0x3FFD];
	_ =	sdelay $0x3  }
0x96: {  	_ =	strace s3  }
0x97: {  	_ =	strace $0x8FFFFFFF  }
0x98: {  	s19 =	sld [smem:$0x3FDB];
	_ =	sdelay $0x1  }
0x99: {  	s4 =	simm.s32 $_scs_section_size  }
0x9a: {  	s5 =	simm.s32 $_size__tile_overlayer_lowered;
	s6 =	simm.s32 $_tile_overlayer_lowered  }
0x9b: {  	s22 =	simm.s32 $0x1BFF;
	s21 =	sshll.u32 s6, $0x1;
	s3 =	sadd.s32 s4, s19  }
0x9c: {  	s7 =	simm.s32 $0x0;
	s20 =	sshll.u32 s5, $0x1;
	s5 =	sadd.s32 s21, s3  }
0x9d: {  	[timem:s7], [sflag:s22] =	dma.local [hbm:s5], s20  }
0x9e: {  	_ =	swait.ge [sflag:s22], s20  }
0x9f: {  	s4 =	ssub.s32 $0x0, s20;
	[sflag:s22] =	ssyncset.done $0x0  }
0xa0: {  	[sflag:s22] =	ssyncadd.s32 s4;
	_ =	sdelay $0x1  }
0xa1: {  	s23 =	simm.s32 $0x1B8B  }
0xa2: {  	_ =	swait.ge [sflag:s23], $0x1  }
0xa3: {  	[sflag:s23] =	ssyncset.done $0x0  }
0xa4: {  	s25 =	simm.s32 $0x1B8E;
	s24 =	sld [smem:$0x3FFE];
	[sflag:s23] =	ssyncadd.s32 $0xFFFFFFFF  }
0xa5: {  	s26 =	simm.s32 $execute0_lowered;
	[smem:$0x3FD2] =	sst s25  }
0xa6: {  	s5 =	sshll.u32 s26, $0x1;
	_ =	strace $0x80000046;
	[dreg:$0x1] =	wrdreg $0xFFFFFFFF  }
0xa7: {  	s28 =	simm.s32 $_size_execute0_lowered;
	s3 =	sadd.s32 s3, s5;
	[dreg:$0x0] =	wrdreg $0x0  }
0xa8: {  	s5 =	sshll.u32 s28, $0x1;
	[dreg:$0x2] =	wrdreg s3  }
0xa9: {  	[dreg:$0x3] =	wrdreg s5  }
0xaa: {  	[dreg:$0x4] =	wrdreg $0xC0  }
0xab: {  	_ =	task [dreg:s7], $0x5FFFF  }
0xac: {  	[dreg:$0x1] =	wrdreg $0xFFFFFFFF  }
0xad: {  	[dreg:$0x0] =	wrdreg $0x60  }
0xae: {  	[dreg:$0x2] =	wrdreg s2  }
0xaf: {  	[dreg:$0x3] =	wrdreg s24  }
0xb0: {  	[dreg:$0x4] =	wrdreg $0x0  }
0xb1: {  	[dreg:$0x5] =	wrdreg $0x9  }
0xb2: {  	_ =	task.clear_ibuf [dreg:s7], $0x6FFFF;
	_ =	strace $0x90000046  }
0xb3: {  	s29 =	simm.s32 $0x9;
	_ =	strace $0x80000048  }
0xb4: {  	_ =	swait.ge [sflag:s29], $0x1  }
0xb5: {  	[sflag:s29] =	ssyncadd.s32 $0xFFFFFFFF  }
0xb6: {  	_ =	strace $0x90000048  }
0xb7: {  	_ =	sfence  }
0xb8: {  	s30 =	sld [smem:$0x0];
	_ =	sdelay $0x2  }
0xb9: {  	s31 =	sshll.u32 s1, $0xD;
	s1 =	sshrl.u32 s1, $0x2  }
0xba: {  	s3 =	sand.u32 $0x4000, s31;
	s1 =	sadd.s32 s1, s30  }
0xbb: {  	s0 =	sor.u32 s3, s0;
	s1 =	sshll.u32 s1, $0x11  }
0xbc: {  	s0 =	sor.u32 s1, s0  }
0xbd: {  	s0 =	sadd.s32 $0x8F2B, s0  }
0xbe: {  	[sflag:s0] =	ssyncadd.remote.s32 $0x1  }
0xbf: {  	_ =	sfence.sel $0xFFFF  }
0xc0: {  	[dreg:$0x0] =	wrdreg $0xFFFFFFFF;
	(pc) =	sbr.abs _section_cstart, $3  }
0xc1: {  	[dreg:$0x1] =	wrdreg $0xFFFFFFFF  }
0xc2: {  	_ =	task.clear_ibuf [dreg:s7], $0x2FFFF;
	_ =	strace $0x9FFFFFFF  }
0xc3: {  	(tm) =	ssettm $0x7FFFFFFF  }
tec
execute0_lowered:
.L_overlay_start_1:
0x0: {  	(tag) =	ssettag $0x1  }
0x1: {  	s1 =	rddreg [dreg:$0x0]  }
0x2: {  	s0 =	rddreg [dreg:$0x1]  }
0x3: {  	s2 =	rddreg [dreg:$0x2]  }
0x4: {  	s3 =	srdreg.scid;
	s4 =	simm.s32 $0x0;
	s5 =	stileid.u32  }
0x5: {  	s30 =	simm.s32 $0x4;
	s31 =	simm.s32 $0x0;
	s7 =	smul.u32 $0x14000, s5  }
0x6: {  	s3 =	sand.u32 $0x1, s3;
	[smem:$0x7FF] =	sst s4;
	s12 =	smul.u32 $0x50000, s5  }
0x7: {  	s9 =	sadd.s32 $0x1A00, s0;
	s11 =	sadd.s32 $0x5AA00, s0;
	s14 =	smul.u32 $0x2800, s5  }
0x8: {  	s19 =	sadd.s32 $0xBA00, s0;
	s8 =	sadd.s32 $0xE200, s0;
	s25 =	smul.u32 $0x1400, s5  }
0x9: {  	s21 =	sshll.u32 s5, $0x6;
	s15 =	sadd.s32 $0x5AA08, s0;
	s6 =	smul.u32 $0x140000, s3  }
0xa: {  	_ =	strace $0x80000047;
	[dreg:$0x4] =	wrdreg s8;
	s23 =	smul.u32 $0x28000, s3  }
0xb: {  	s16 =	ssub.s32 $0x2, s3;
	s17 =	sshll.u32 s3, $0x4;
	s3 =	smul.u32 $0x14000, s3  }
0xc: {  	s10 =	sshrl.u32 s16, $0x1;
	s13 =	sor.u32 s5, s17;
	s20 =	sshrl.u32 s12, $0x2  }
0xd: {  	s22 =	sshrl.u32 s14, $0x3;
	s17 =	sadd.s32 $0x5AA10, s0;
	s6 =	sadd.s32 s7, s6  }
0xe: {  	s7 =	ssub.s32 s16, s10;
	s18 =	smul.u32 $0x2800, s13;
	s8 =	sadd.s32 s20, s2  }
0xf: {  	s20 =	sadd.s32 s11, s22;
	s24 =	sadd.s32 s22, s15;
	s13 =	smul.u32 $0x1400, s13  }
0x10: {  	s12 =	sadd.s32 s14, s23;
	s3 =	sadd.s32 s25, s3;
	[dreg:$0x5] =	wrdreg s8  }
0x11: {  	s28 =	sadd.s32 s22, s17;
	s6 =	sshrl.u32 s6, $0x3;
	[dreg:$0x9] =	wrdreg s24  }
0x12: {  	s8 =	sor.u32 $0x1C04, s21;
	[dreg:$0xb] =	wrdreg s28;
	s12 =	sor.u32 $0x140, s12  }
0x13: {  	s25 =	smax.u32 s7, $0x1;
	[dreg:$0x7] =	wrdreg s20;
	s6 =	sadd.s32 s6, s0  }
0x14: {  	s10 =	sshrl.u32 s18, $0x3;
	s0 =	sadd.s32 $0x5AA18, s0;
	s13 =	sshrl.u32 s13, $0x3  }
0x15: {  	[dreg:$0x15] =	wrdreg s25;
	s18 =	sadd.s32 s9, s10;
	s10 =	sadd.s32 s22, s0  }
0x16: {  	s14 =	sshrl.u32 s12, $0x3;
	s29 =	sadd.s32 s13, s15;
	[dreg:$0xc] =	wrdreg s10  }
0x17: {  	s3 =	sor.u32 $0x100, s3;
	s9 =	sadd.s32 s14, s9;
	[dreg:$0xd] =	wrdreg s29  }
0x18: {  	s25 =	simm.s32 $0x14600;
	s0 =	sadd.s32 s13, s0;
	[dreg:$0xe] =	wrdreg s9  }
0x19: {  	s15 =	smul.u32 $0x500, s5;
	s21 =	sadd.s32 s11, s13;
	[dreg:$0x10] =	wrdreg s0  }
0x1a: {  	s23 =	sadd.s32 $0x5FA00, s6;
	s24 =	sadd.s32 $0xAFA00, s6;
	[dreg:$0x11] =	wrdreg s21  }
0x1b: {  	s6 =	simm.s32 $0x14800;
	s14 =	simm.s32 $0x14500;
	[dreg:$0x13] =	wrdreg s23  }
0x1c: {  	s16 =	sadd.s32 $0x8, s18;
	s26 =	sadd.s32 $0x10, s18;
	[dreg:$0x14] =	wrdreg s24  }
0x1d: {  	[dreg:$0x6] =	wrdreg s18;
	s28 =	sadd.s32 $0x20, s18;
	s29 =	sadd.s32 $0x20, s20  }
0x1e: {  	s10 =	simm.s32 $0x16800;
	s20 =	simm.s32 $0x1;
	[dreg:$0x8] =	wrdreg s16  }
0x1f: {  	s23 =	simm.s32 $0x14200;
	s24 =	simm.s32 $0x3;
	[dreg:$0xa] =	wrdreg s26  }
0x20: {  	s16 =	sadd.s32 s13, s17;
	s17 =	sshrl.u32 s3, $0x3;
	[dreg:$0x17] =	wrdreg s28  }
0x21: {  	s22 =	sadd.s32 s15, s11;
	s26 =	sadd.s32 $0x18, s18;
	[dreg:$0x18] =	wrdreg s29  }
0x22: {  	s3 =	simm.s32 $0x40;
	s18 =	simm.s32 $0x2;
	[dreg:$0xf] =	wrdreg s16  }
0x23: {  	s0 =	sadd.s32 s17, s11;
	s13 =	sadd.s32 $0x28, s22;
	[dreg:$0x16] =	wrdreg s26  }
0x24: {  	s11 =	simm.s32 $0x14480;
	s17 =	simm.s32 $0x18800;
	s16 =	simm.s32 $0x14580  }
0x25: {  	s22 =	simm.s32 $0x1A800;
	[dreg:$0x12] =	wrdreg s0;
	s0 =	simm.s32 $0x14400  }
.LBB2_1:
0x26: {  	s5 =	rddreg [dreg:$0x5]  }
0x27: {  	s26 =	sshrl.u32 s5, $0x3  }
0x28: {  	[spmem:s26], [sflag:s8] =	dma.local [hbm:s19], $0x2800  }
0x29: {  	_ =	swait.ge [sflag:s30], $0x2800  }
0x2a: {  	[sflag:s30] =	ssyncset.done $0x0  }
0x2b: {  	[sflag:s30] =	ssyncadd.s32 $0xFFFFD800  }
0x2c: {  	[bflag:$0x0] =	sbarrier.arrive $0xFFFF  }
0x2d: {  	s21 =	smov.u32 s19;
	s7 =	simm.s32 $0x14000;
	s19 =	rddreg [dreg:$0x6]  }
0x2e: {  	[tilespmem:s7], [sflag:$0x4] =	stream.linear.gather [hbm4b:s19+s4], $0x40, $0x38;
	[tilespmem:$0x1C800] =	vst v63  }
0x2f: {  	_ =	swait.ge [sflag:s30], $0x40  }
0x30: {  	[sflag:s30] =	ssyncset.done $0x0  }
0x31: {  	s9 =	rddreg [dreg:$0x7];
	[sflag:s30] =	ssyncadd.s32 $0xFFFFFFC0  }
0x32: {  	[tilespmem:s0], [sflag:$0x4] =	stream.linear.gather [hbm4b:s9+s4], $0x40, $0x38;
	[tilespmem:$0x1C800] =	vst v63  }
0x33: {  	_ =	swait.ge [sflag:s30], $0x40  }
0x34: {  	[sflag:s30] =	ssyncset.done $0x0  }
0x35: {  	[sflag:s30] =	ssyncadd.s32 $0xFFFFFFC0  }
0x36: {  	[tilespmem:s6], [sflag:$0x1] =	stream.indirect.gather [hbm4b:s1+s3], $0x80, s7, s3, $0xb8;
	[tilespmem:$0x1C800] =	vst v63  }
0x37: {  	s15 =	simm.s32 $0x14080;
	s12 =	rddreg [dreg:$0x8]  }
0x38: {  	[tilespmem:s15], [sflag:$0x4] =	stream.linear.gather [hbm4b:s12+s4], $0x40, $0x38;
	[tilespmem:$0x1C800] =	vst v63  }
0x39: {  	_ =	swait.ge [sflag:s30], $0x40  }
0x3a: {  	[sflag:s30] =	ssyncset.done $0x0  }
0x3b: {  	s19 =	rddreg [dreg:$0x9];
	[sflag:s30] =	ssyncadd.s32 $0xFFFFFFC0  }
0x3c: {  	[tilespmem:s11], [sflag:$0x4] =	stream.linear.gather [hbm4b:s19+s4], $0x40, $0x38;
	[tilespmem:$0x1C800] =	vst v63  }
0x3d: {  	_ =	swait.ge [sflag:s30], $0x40  }
0x3e: {  	[sflag:s30] =	ssyncset.done $0x0  }
0x3f: {  	[sflag:s30] =	ssyncadd.s32 $0xFFFFFFC0  }
0x40: {  	[tilespmem:s10], [sflag:$0x1] =	stream.indirect.gather [hbm4b:s1+s3], $0x80, s15, s3, $0xb8;
	[tilespmem:$0x1C800] =	vst v63  }
0x41: {  	s9 =	rddreg [dreg:$0xa];
	s10 =	simm.s32 $0x14100  }
0x42: {  	[tilespmem:s10], [sflag:$0x4] =	stream.linear.gather [hbm4b:s9+s4], $0x40, $0x38;
	[tilespmem:$0x1C800] =	vst v63  }
0x43: {  	_ =	swait.ge [sflag:s30], $0x40  }
0x44: {  	[sflag:s30] =	ssyncset.done $0x0  }
0x45: {  	s12 =	rddreg [dreg:$0xb];
	[sflag:s30] =	ssyncadd.s32 $0xFFFFFFC0  }
0x46: {  	[tilespmem:s14], [sflag:$0x4] =	stream.linear.gather [hbm4b:s12+s4], $0x40, $0x38;
	[tilespmem:$0x1C800] =	vst v63  }
0x47: {  	_ =	swait.ge [sflag:s30], $0x40  }
0x48: {  	[sflag:s30] =	ssyncset.done $0x0  }
0x49: {  	[sflag:s30] =	ssyncadd.s32 $0xFFFFFFC0  }
0x4a: {  	[tilespmem:s17], [sflag:$0x1] =	stream.indirect.gather [hbm4b:s1+s3], $0x80, s10, s3, $0xb8;
	[tilespmem:$0x1C800] =	vst v63  }
0x4b: {  	s15 =	rddreg [dreg:$0x16];
	s17 =	simm.s32 $0x14180  }
0x4c: {  	[tilespmem:s17], [sflag:$0x2] =	stream.linear.gather [hbm4b:s15+s4], $0x40, $0x38;
	[tilespmem:$0x1C800] =	vst v63  }
0x4d: {  	s19 =	rddreg [dreg:$0xc]  }
0x4e: {  	[tilespmem:s16], [sflag:$0x2] =	stream.linear.gather [hbm4b:s19+s4], $0x40, $0x38;
	[tilespmem:$0x1C800] =	vst v63  }
0x4f: {  	_ =	swait.ge [sflag:s18], $0x40  }
0x50: {  	[sflag:s18] =	ssyncset.done $0x0  }
0x51: {  	[sflag:s18] =	ssyncadd.s32 $0xFFFFFFC0  }
0x52: {  	_ =	swait.ge [sflag:s18], $0x40  }
0x53: {  	s9 =	simm.s32 $0x5;
	[sflag:s18] =	ssyncset.done $0x0  }
0x54: {  	s9 =	sand.u32 $0xFF, s9;
	[sflag:s18] =	ssyncadd.s32 $0xFFFFFFC0  }
0x55: {  	[tilespmem:s22], [sflag:$0x1] =	stream.indirect.gather [hbm4b:s1+s3], $0x80, s17, s3, $0xb8;
	[tilespmem:$0x1C800] =	vst v63  }
0x56: {  	s9 =	smul.u32 $0xCD, s9;
	_ =	swait.ge [sflag:s20], $0x2000  }
0x57: {  	s28 =	simm.s32 $0x6;
	s29 =	simm.s32 $0x10000;
	[sflag:s20] =	ssyncset.done $0x0  }
0x58: {  	s12 =	simm.s32 $0x1;
	s9 =	sshrl.u32 s9, $0xA;
	[sflag:s20] =	ssyncadd.s32 $0xFFFFE000  }
0x59: {  	[spmem:s2] =	stream.indirect.scatter.add.f32 [tilespmem:s6], [sflag:$0x3], $0x80, s0, s3, $0xb8;
	[tilespmem:$0x1C800] =	vst v63  }
0x5a: {  	s12 =	sand.u32 $0xFF, s12;
	s9 =	smul.u32 $0x5, s9;
	s22 =	rddreg [dreg:$0x17]  }
0x5b: {  	[tilespmem:s23], [sflag:$0x2] =	stream.linear.gather [hbm4b:s22+s4], $0x40, $0x38;
	[tilespmem:$0x1C800] =	vst v63  }
0x5c: {  	s5 =	simm.s32 $0x0;
	s12 =	smul.u32 $0xCD, s12;
	s23 =	rddreg [dreg:$0x18]  }
0x5d: {  	[tilespmem:s25], [sflag:$0x2] =	stream.linear.gather [hbm4b:s23+s4], $0x40, $0x38;
	[tilespmem:$0x1C800] =	vst v63  }
0x5e: {  	s9 =	ssub.s32 $0x5, s9;
	s12 =	sshrl.u32 s12, $0xA;
	s25 =	simm.s32 $0x4  }
0x5f: {  	s9 =	sand.u32 $0xFF, s9;
	s12 =	smul.u32 $0x5, s12;
	s7 =	sand.u32 $0xFF, s25  }
0x60: {  	s15 =	simm.s32 $0x8000;
	_ =	swait.ge [sflag:s24], $0x2000;
	s7 =	smul.u32 $0xCD, s7  }
0x61: {  	s9 =	sshll.u32 s9, $0x7;
	s15 =	sand.u32 $0x18000, s15;
	[sflag:s24] =	ssyncset.done $0x0  }
0x62: {  	s19 =	ssub.s32 $0x1, s12;
	[sflag:s24] =	ssyncadd.s32 $0xFFFFE000;
	s7 =	sshrl.u32 s7, $0xA  }
0x63: {  	s15 =	sshrl.u32 s15, $0x2;
	_ =	swait.ge [sflag:s18], $0x40;
	s7 =	smul.u32 $0x5, s7  }
0x64: {  	s12 =	sadd.s32 $0x8, s13;
	s15 =	sadd.s32 $0x14800, s15;
	[sflag:s18] =	ssyncset.done $0x0  }
0x65: {  	s17 =	sand.u32 $0x18000, s5;
	[sflag:s18] =	ssyncadd.s32 $0xFFFFFFC0;
	s7 =	ssub.s32 $0x4, s7  }
0x66: {  	s17 =	sshrl.u32 s17, $0x2;
	_ =	swait.ge [sflag:s18], $0x40;
	s7 =	sand.u32 $0x7F, s7  }
0x67: {  	s17 =	sadd.s32 $0x14800, s17;
	[sflag:s18] =	ssyncset.done $0x0;
	s7 =	sshll.u32 s7, $0x7  }
0x68: {  	s25 =	sand.u32 $0x77, s19;
	[sflag:s18] =	ssyncadd.s32 $0xFFFFFFC0;
	s10 =	sor.u32 $0x14000, s7  }
0x69: {  	[tilespmem:s17], [sflag:$0x1] =	stream.indirect.gather [hbm4b:s1+s3], $0x80, s10, s3, $0xb8;
	[tilespmem:$0x1C800] =	vst v63  }
0x6a: {  	s25 =	sshll.u32 s25, $0x7;
	s23 =	rddreg [dreg:$0xe];
	_ =	swait.ge [sflag:s20], $0x2000  }
0x6b: {  	s22 =	sor.u32 $0x14400, s25;
	s25 =	smov.u32 s13;
	[sflag:s20] =	ssyncset.done $0x0  }
0x6c: {  	s7 =	sadd.s32 $0x8, s23;
	s17 =	smov.u32 s23;
	[sflag:s20] =	ssyncadd.s32 $0xFFFFE000  }
.LBB2_2:
0x6d: {  	[spmem:s2] =	stream.indirect.scatter.add.f32 [tilespmem:s15], [sflag:$0x3], $0x80, s22, s3, $0xb8;
	[tilespmem:$0x1C800] =	vst v63  }
0x6e: {  	s15 =	smov.u32 s28;
	s22 =	smov.u32 s29  }
0x6f: {  	p0 =	sne.s32 s28, $0x9F;
	s28 =	sadd.s32 $0x1, s28;
	s23 =	sor.u32 $0x14000, s9  }
0x70: {  	[tilespmem:s23], [sflag:$0x2] =	stream.linear.gather [hbm4b:s17+s4], $0x40, $0x38;
	[tilespmem:$0x1C800] =	vst v63  }
0x71: {  	s9 =	sor.u32 $0x14400, s9;
	s23 =	sadd.s32 $0xFFFFFFFF, s15;
	s17 =	smov.u32 s7  }
0x72: {  	[tilespmem:s9], [sflag:$0x2] =	stream.linear.gather [hbm4b:s25+s4], $0x40, $0x38;
	[tilespmem:$0x1C800] =	vst v63  }
0x73: {  	s9 =	sand.u32 $0xFF, s23;
	s25 =	smov.u32 s12;
	_ =	swait.ge [sflag:s24], $0x2000  }
0x74: {  	s9 =	smul.u32 $0xCD, s9;
	[sflag:s24] =	ssyncset.done $0x0  }
0x75: {  	[sflag:s24] =	ssyncadd.s32 $0xFFFFE000  }
0x76: {  	s19 =	sadd.s32 $0xFFFFFFFC, s15;
	s9 =	sshrl.u32 s9, $0xA;
	_ =	swait.ge [sflag:s18], $0x40  }
0x77: {  	s5 =	sand.u32 $0xFF, s19;
	s9 =	smul.u32 $0x5, s9;
	[sflag:s18] =	ssyncset.done $0x0  }
0x78: {  	s10 =	sadd.s32 $0xFFFF8000, s29;
	s5 =	smul.u32 $0xCD, s5;
	[sflag:s18] =	ssyncadd.s32 $0xFFFFFFC0  }
0x79: {  	s29 =	sadd.s32 $0x8000, s29;
	s9 =	ssub.s32 s23, s9;
	s23 =	sand.u32 $0xFF, s15  }
0x7a: {  	s9 =	sand.u32 $0x7F, s9;
	s23 =	smul.u32 $0xCD, s23;
	_ =	swait.ge [sflag:s18], $0x40  }
0x7b: {  	s5 =	sshrl.u32 s5, $0xA;
	s9 =	sshll.u32 s9, $0x7;
	[sflag:s18] =	ssyncset.done $0x0  }
0x7c: {  	s10 =	sand.u32 $0x18000, s10;
	s9 =	sor.u32 $0x14000, s9;
	[sflag:s18] =	ssyncadd.s32 $0xFFFFFFC0  }
0x7d: {  	s10 =	sshrl.u32 s10, $0x2;
	s5 =	smul.u32 $0x5, s5;
	s23 =	sshrl.u32 s23, $0xA  }
0x7e: {  	s7 =	sadd.s32 $0x8, s7;
	s10 =	sadd.s32 $0x14800, s10;
	s23 =	smul.u32 $0x5, s23  }
0x7f: {  	s12 =	sadd.s32 $0x8, s12;
	s5 =	ssub.s32 s19, s5;
	s19 =	sand.u32 $0x18000, s22  }
.Ltmp0:
0x80: {  	s5 =	sand.u32 $0x77, s5;
	s15 =	ssub.s32 s15, s23;
	(pc) =	sbr.rel @p0 .LBB2_2-.Ltmp0, $4  }
0x81: {  	[tilespmem:s10], [sflag:$0x1] =	stream.indirect.gather [hbm4b:s1+s3], $0x80, s9, s3, $0xb8;
	[tilespmem:$0x1C800] =	vst v63  }
0x82: {  	s5 =	sshll.u32 s5, $0x7;
	s9 =	sand.u32 $0xFF, s15;
	_ =	swait.ge [sflag:s20], $0x2000  }
0x83: {  	s10 =	sshrl.u32 s19, $0x2;
	s9 =	sshll.u32 s9, $0x7;
	[sflag:s20] =	ssyncset.done $0x0  }
0x84: {  	s22 =	sor.u32 $0x14400, s5;
	s15 =	sadd.s32 $0x14800, s10;
	[sflag:s20] =	ssyncadd.s32 $0xFFFFE000  }
0x85: {  	[spmem:s2] =	stream.indirect.scatter.add.f32 [tilespmem:s15], [sflag:$0x3], $0x80, s22, s3, $0xb8;
	[tilespmem:$0x1C800] =	vst v63  }
0x86: {  	s5 =	sor.u32 $0x14000, s9  }
0x87: {  	[tilespmem:s5], [sflag:$0x2] =	stream.linear.gather [hbm4b:s17+s4], $0x40, $0x38;
	[tilespmem:$0x1C800] =	vst v63  }
0x88: {  	s29 =	sor.u32 $0x14400, s9  }
0x89: {  	[tilespmem:s29], [sflag:$0x2] =	stream.linear.gather [hbm4b:s25+s4], $0x40, $0x38;
	[tilespmem:$0x1C800] =	vst v63  }
0x8a: {  	_ =	swait.ge [sflag:s24], $0x2000  }
0x8b: {  	[sflag:s24] =	ssyncset.done $0x0  }
0x8c: {  	[sflag:s24] =	ssyncadd.s32 $0xFFFFE000  }
0x8d: {  	_ =	swait.ge [sflag:s18], $0x40  }
0x8e: {  	[sflag:s18] =	ssyncset.done $0x0  }
0x8f: {  	[sflag:s18] =	ssyncadd.s32 $0xFFFFFFC0  }
0x90: {  	_ =	swait.ge [sflag:s18], $0x40  }
0x91: {  	[sflag:s18] =	ssyncset.done $0x0  }
0x92: {  	s22 =	simm.s32 $0x1A800;
	s23 =	simm.s32 $0x14200;
	[sflag:s18] =	ssyncadd.s32 $0xFFFFFFC0  }
0x93: {  	[tilespmem:s22], [sflag:$0x1] =	stream.indirect.gather [hbm4b:s1+s3], $0x80, s23, s3, $0xb8;
	[tilespmem:$0x1C800] =	vst v63  }
0x94: {  	_ =	swait.ge [sflag:s20], $0x2000  }
0x95: {  	[sflag:s20] =	ssyncset.done $0x0  }
0x96: {  	[sflag:s20] =	ssyncadd.s32 $0xFFFFE000  }
0x97: {  	[spmem:s2] =	stream.indirect.scatter.add.f32 [tilespmem:s6], [sflag:$0x3], $0x80, s11, s3, $0xb8;
	[tilespmem:$0x1C800] =	vst v63  }
0x98: {  	_ =	swait.ge [sflag:s24], $0x2000  }
0x99: {  	[sflag:s24] =	ssyncset.done $0x0  }
0x9a: {  	[sflag:s24] =	ssyncadd.s32 $0xFFFFE000  }
0x9b: {  	_ =	swait.ge [sflag:s20], $0x2000  }
0x9c: {  	[sflag:s20] =	ssyncset.done $0x0  }
0x9d: {  	s10 =	simm.s32 $0x16800;
	[sflag:s20] =	ssyncadd.s32 $0xFFFFE000  }
0x9e: {  	[spmem:s2] =	stream.indirect.scatter.add.f32 [tilespmem:s10], [sflag:$0x3], $0x80, s14, s3, $0xb8;
	[tilespmem:$0x1C800] =	vst v63  }
0x9f: {  	_ =	swait.ge [sflag:s24], $0x2000  }
0xa0: {  	[sflag:s24] =	ssyncset.done $0x0  }
0xa1: {  	[sflag:s24] =	ssyncadd.s32 $0xFFFFE000  }
0xa2: {  	_ =	swait.ge [sflag:s20], $0x2000  }
0xa3: {  	[sflag:s20] =	ssyncset.done $0x0  }
0xa4: {  	s17 =	simm.s32 $0x18800;
	[sflag:s20] =	ssyncadd.s32 $0xFFFFE000  }
0xa5: {  	[spmem:s2] =	stream.indirect.scatter.add.f32 [tilespmem:s17], [sflag:$0x3], $0x80, s16, s3, $0xb8;
	[tilespmem:$0x1C800] =	vst v63  }
0xa6: {  	_ =	swait.ge [sflag:s24], $0x2000  }
0xa7: {  	[sflag:s24] =	ssyncset.done $0x0  }
0xa8: {  	[sflag:s24] =	ssyncadd.s32 $0xFFFFE000  }
0xa9: {  	_ =	swait.ge [sflag:s20], $0x2000  }
0xaa: {  	[sflag:s20] =	ssyncset.done $0x0  }
0xab: {  	s25 =	simm.s32 $0x14600;
	[sflag:s20] =	ssyncadd.s32 $0xFFFFE000  }
0xac: {  	[spmem:s2] =	stream.indirect.scatter.add.f32 [tilespmem:s22], [sflag:$0x3], $0x80, s25, s3, $0xb8;
	[tilespmem:$0x1C800] =	vst v63  }
0xad: {  	_ =	swait.ge [sflag:s24], $0x2000  }
0xae: {  	[sflag:s24] =	ssyncset.done $0x0  }
0xaf: {  	[sflag:s24] =	ssyncadd.s32 $0xFFFFE000  }
0xb0: {  	[bflag:$0x0] =	sbarrier.arrive $0xFFFF  }
0xb1: {  	s7 =	rddreg [dreg:$0x13]  }
0xb2: {  	[hbm:s7], [sflag:s8] =	dma.local [spmem:s26], $0x2800  }
0xb3: {  	_ =	swait.ge [sflag:s30], $0x2800  }
0xb4: {  	[sflag:s30] =	ssyncset.done $0x0  }
0xb5: {  	[sflag:s30] =	ssyncadd.s32 $0xFFFFD800  }
0xb6: {  	[spmem:s26], [sflag:s8] =	dma.local [hbm:s21], $0x2800  }
0xb7: {  	_ =	swait.ge [sflag:s30], $0x2800  }
0xb8: {  	[sflag:s30] =	ssyncset.done $0x0  }
0xb9: {  	s9 =	simm.s32 $0x0;
	s7 =	rddreg [dreg:$0x4];
	[sflag:s30] =	ssyncadd.s32 $0xFFFFD800  }
0xba: {  	[tilespmem:s6], [sflag:$0x4] =	stream.linear.gather [hbm4b:s7+s9], $0x2000, $0x38;
	[tilespmem:$0x1C800] =	vst v63  }
0xbb: {  	_ =	swait.ge [sflag:s30], $0x2000  }
0xbc: {  	[sflag:s30] =	ssyncset.done $0x0  }
0xbd: {  	[sflag:s30] =	ssyncadd.s32 $0xFFFFE000  }
0xbe: {  	[bflag:$0x0] =	sbarrier.arrive $0xFFFF  }
0xbf: {  	s12 =	rddreg [dreg:$0x11]  }
0xc0: {  	[tilespmem:s0], [sflag:$0x4] =	stream.linear.gather [hbm4b:s12+s9], $0x40, $0x38;
	[tilespmem:$0x1C800] =	vst v63  }
0xc1: {  	_ =	swait.ge [sflag:s30], $0x40  }
0xc2: {  	[sflag:s30] =	ssyncset.done $0x0  }
0xc3: {  	s15 =	rddreg [dreg:$0xd];
	[sflag:s30] =	ssyncadd.s32 $0xFFFFFFC0  }
0xc4: {  	[tilespmem:s11], [sflag:$0x2] =	stream.linear.gather [hbm4b:s15+s9], $0x40, $0x38;
	[tilespmem:$0x1C800] =	vst v63  }
0xc5: {  	_ =	swait.ge [sflag:s18], $0x40  }
0xc6: {  	[sflag:s18] =	ssyncset.done $0x0  }
0xc7: {  	[sflag:s18] =	ssyncadd.s32 $0xFFFFFFC0  }
0xc8: {  	[spmem:s2] =	stream.indirect.scatter.add.f32 [tilespmem:s6], [sflag:$0x3], $0x80, s0, s3, $0xb8;
	[tilespmem:$0x1C800] =	vst v63  }
0xc9: {  	s19 =	smov.u32 s21;
	s21 =	rddreg [dreg:$0xf]  }
0xca: {  	[tilespmem:s14], [sflag:$0x2] =	stream.linear.gather [hbm4b:s21+s9], $0x40, $0x38;
	[tilespmem:$0x1C800] =	vst v63  }
0xcb: {  	_ =	swait.ge [sflag:s18], $0x40  }
0xcc: {  	[sflag:s18] =	ssyncset.done $0x0  }
0xcd: {  	[sflag:s18] =	ssyncadd.s32 $0xFFFFFFC0  }
0xce: {  	[spmem:s2] =	stream.indirect.scatter.add.f32 [tilespmem:s6], [sflag:$0x3], $0x80, s11, s3, $0xb8;
	[tilespmem:$0x1C800] =	vst v63  }
0xcf: {  	s28 =	rddreg [dreg:$0x10]  }
0xd0: {  	[tilespmem:s16], [sflag:$0x2] =	stream.linear.gather [hbm4b:s28+s9], $0x40, $0x38;
	[tilespmem:$0x1C800] =	vst v63  }
0xd1: {  	_ =	swait.ge [sflag:s18], $0x40  }
0xd2: {  	[sflag:s18] =	ssyncset.done $0x0  }
0xd3: {  	s5 =	sand.u32 $0x600, s9;
	[sflag:s18] =	ssyncadd.s32 $0xFFFFFFC0  }
0xd4: {  	s29 =	sxor.u32 $0x400, s5;
	_ =	swait.ge [sflag:s24], $0x2000  }
0xd5: {  	s5 =	sshrl.u32 s5, $0x2;
	s7 =	sshrl.u32 s29, $0x2;
	[sflag:s24] =	ssyncset.done $0x0  }
0xd6: {  	s7 =	sor.u32 $0x14400, s7;
	s15 =	rddreg [dreg:$0x12];
	[sflag:s24] =	ssyncadd.s32 $0xFFFFE000  }
0xd7: {  	[spmem:s2] =	stream.indirect.scatter.add.f32 [tilespmem:s6], [sflag:$0x3], $0x80, s7, s3, $0xb8;
	[tilespmem:$0x1C800] =	vst v63  }
0xd8: {  	s9 =	sor.u32 $0x14400, s5;
	s12 =	sadd.s32 $0x8, s15;
	s7 =	simm.s32 $0x200  }
.LBB2_4:
0xd9: {  	[tilespmem:s9], [sflag:$0x2] =	stream.linear.gather [hbm4b:s15+s4], $0x40, $0x38;
	[tilespmem:$0x1C800] =	vst v63  }
0xda: {  	s5 =	smov.u32 s7;
	s15 =	smov.u32 s12  }
0xdb: {  	p0 =	sne.s32 s7, $0x9600;
	s7 =	sadd.s32 $0x200, s7;
	_ =	swait.ge [sflag:s18], $0x40  }
0xdc: {  	[sflag:s18] =	ssyncset.done $0x0  }
0xdd: {  	s5 =	sand.u32 $0x600, s5;
	[sflag:s18] =	ssyncadd.s32 $0xFFFFFFC0  }
.Ltmp1:
0xde: {  	s9 =	sxor.u32 $0x400, s5;
	_ =	swait.ge [sflag:s24], $0x2000;
	(pc) =	sbr.rel @p0 .LBB2_4-.Ltmp1, $4  }
0xdf: {  	s5 =	sshrl.u32 s5, $0x2;
	s9 =	sshrl.u32 s9, $0x2;
	[sflag:s24] =	ssyncset.done $0x0  }
0xe0: {  	s9 =	sor.u32 $0x14400, s9;
	[sflag:s24] =	ssyncadd.s32 $0xFFFFE000  }
0xe1: {  	[spmem:s2] =	stream.indirect.scatter.add.f32 [tilespmem:s6], [sflag:$0x3], $0x80, s9, s3, $0xb8;
	[tilespmem:$0x1C800] =	vst v63  }
0xe2: {  	s12 =	sadd.s32 $0x8, s12;
	s9 =	sor.u32 $0x14400, s5  }
0xe3: {  	[tilespmem:s9], [sflag:$0x2] =	stream.linear.gather [hbm4b:s15+s4], $0x40, $0x38;
	[tilespmem:$0x1C800] =	vst v63  }
0xe4: {  	_ =	swait.ge [sflag:s18], $0x40  }
0xe5: {  	[sflag:s18] =	ssyncset.done $0x0  }
0xe6: {  	[sflag:s18] =	ssyncadd.s32 $0xFFFFFFC0  }
0xe7: {  	_ =	swait.ge [sflag:s24], $0x2000  }
0xe8: {  	[sflag:s24] =	ssyncset.done $0x0  }
0xe9: {  	[sflag:s24] =	ssyncadd.s32 $0xFFFFE000  }
0xea: {  	[spmem:s2] =	stream.indirect.scatter.add.f32 [tilespmem:s6], [sflag:$0x3], $0x80, s14, s3, $0xb8;
	[tilespmem:$0x1C800] =	vst v63  }
0xeb: {  	_ =	swait.ge [sflag:s24], $0x2000  }
0xec: {  	[sflag:s24] =	ssyncset.done $0x0  }
0xed: {  	[sflag:s24] =	ssyncadd.s32 $0xFFFFE000  }
0xee: {  	[spmem:s2] =	stream.indirect.scatter.add.f32 [tilespmem:s6], [sflag:$0x3], $0x80, s16, s3, $0xb8;
	[tilespmem:$0x1C800] =	vst v63  }
0xef: {  	_ =	swait.ge [sflag:s24], $0x2000  }
0xf0: {  	[sflag:s24] =	ssyncset.done $0x0  }
0xf1: {  	[sflag:s24] =	ssyncadd.s32 $0xFFFFE000  }
0xf2: {  	_ =	swait.ge [sflag:s24], $0x2000  }
0xf3: {  	[sflag:s24] =	ssyncset.done $0x0  }
0xf4: {  	[sflag:s24] =	ssyncadd.s32 $0xFFFFE000  }
0xf5: {  	[bflag:$0x0] =	sbarrier.arrive $0xFFFF  }
0xf6: {  	s5 =	rddreg [dreg:$0x14]  }
0xf7: {  	[hbm:s5], [sflag:s8] =	dma.local [spmem:s26], $0x2800  }
0xf8: {  	_ =	swait.ge [sflag:s30], $0x2800  }
0xf9: {  	s31 =	sadd.s32 $0x1, s31;
	s29 =	rddreg [dreg:$0x15]  }
0xfa: {  	p0 =	sne.s32 s31, s29  }
.Ltmp2:
0xfb: {  	_ = 	snop;
	(pc) =	sbr.rel @p0 .LBB2_1-.Ltmp2, $3  }
0xfc: {  	_ =	sdelay $0x1  }
0xfd: {  	[sflag:s30] =	ssyncset.done $0x0  }
0xfe: {  	[sflag:s30] =	ssyncadd.s32 $0xFFFFD800  }
0xff: {  	_ =	sfence.sel $0x180000  }
0x100: {  	[bflag:$0x0] =	sbarrier.arrive $0xFFFF  }
0x101: {  	_ =	strace $0x90000047  }
0x102: {  	s0 =	stileid.u32;
	[bflag:$0x2] =	sbarrier.arrive $0xFFFF  }
0x103: {  	p0 =	sne.s32 s0, $0x0;
	s0 =	rddreg [dreg:$0x3]  }
0x104: {  	s0 =	sadd.s32 @!p0 $0x100000, s0  }
0x105: {  	[sflag:s0] =	ssyncadd.tile.s32 @!p0 $0x1;
	_ =	shalt  }
.Lfunc_end2:
_tile_overlayer_lowered:
.L_overlay_start_2:
0x106: {  	(tag) =	ssettag $0x2  }
0x107: {  	s0 =	rddreg [dreg:$0x0];
	s2 =	stileid.u32  }
0x108: {  	s1 =	rddreg [dreg:$0x1];
	p0 =	sne.s32 s2, $0x0  }
0x109: {  	s3 =	rddreg [dreg:$0x2];
	[bflag:$0x3] =	sbarrier.arrive $0xFFFF;
	s2 =	simm.s32 @!p0 $0x1C04  }
0x10a: {  	[timem:s3], [sflag:s2] =	dma.local @!p0 [hbm:s0], s1  }
0x10b: {  	s0 =	simm.s32 @!p0 $0x4  }
0x10c: {  	_ =	swait.ge @!p0 [sflag:s0], s1  }
0x10d: {  	s1 =	ssub.s32 @!p0 $0x0, s1;
	[sflag:s0] =	ssyncset.done @!p0 $0x0  }
0x10e: {  	[sflag:s0] =	ssyncadd.s32 @!p0 s1  }
0x10f: {  	[bflag:$0x3] =	sbarrier.arrive $0xFFFF  }
0x110: {  	_ =	shalt  }

</sc_bundles>
